<compile_context>
chip_gen: v7x
topology: tpu7x:2x2x1
jax: 0.10.2.dev20260603
libtpu: 0.0.44.dev20260713+nightly
codegen_flags: <defaults>
</compile_context>

<pallas_src>
import functools

import jax
import jax.numpy as jnp
from jax import lax
from jax.experimental import pallas as pl
from jax.experimental.pallas import tpu as pltpu
from jax.experimental.pallas import tpu_sc as plsc

_N = 100000
_E = 3200000
_D = 16
_ITERS = 60
_NC = 2
_NS = 16
_NP = 100352
_NT = _NP // _NS
_EH = _E // _NC
_ET = _EH // _NS
_C = 2000
_NCH_E = _ET // _C
_NCH_Z = _N // _C
_VPC = _C // 16
_FQ = _NT // 4


def _encoder_body(feats128_ref, m_ref, b_ref, ei_ref,
                  rew_ref, exw_ref, srco_ref, dsto_ref):
    x = jnp.dot(feats128_ref[...], m_ref[...],
                preferred_element_type=jnp.float32,
                precision=lax.Precision.HIGHEST)
    x = x + b_ref[0, 0]
    r = -jax.nn.softplus(x)
    n = r.shape[0] * r.shape[1]
    rew_ref[...] = r.reshape(n)
    exw_ref[...] = jnp.exp(r).reshape(n)
    srco_ref[...] = ei_ref[0]
    dsto_ref[...] = ei_ref[1]


def _log_body(p_ref, out_ref):
    out_ref[...] = jnp.log(p_ref[0] + p_ref[1])


def _combine_into_zrep(pin_hbm, zrep, bufLA, bufHA, bufLB, bufHB,
                       semA, semB):

    def _issue(off, bl, bh, sem):
        pltpu.async_copy(pin_hbm.at[pl.ds(off, _C)], bl, sem)
        pltpu.async_copy(pin_hbm.at[pl.ds(_NP + off, _C)], bh, sem)

    def _wait(off, bl, bh, sem):
        pltpu.make_async_copy(pin_hbm.at[pl.ds(off, _C)], bl, sem).wait()
        pltpu.make_async_copy(pin_hbm.at[pl.ds(_NP + off, _C)], bh, sem).wait()

    def _compute(zoff, bl, bh):
        def _m(i, c):
            s = pl.ds(i * 16, 16)
            zrep[pl.ds(zoff + i * 16, 16)] = bl[s] + bh[s]
            return c

        lax.fori_loop(0, _VPC, _m, 0)

    _issue(0, bufLA, bufHA, semA)

    def _j(j, c):
        kA = 2 * j
        kB = 2 * j + 1
        _wait(kA * _C, bufLA, bufHA, semA)
        _issue(kB * _C, bufLB, bufHB, semB)
        _compute(kA * _C, bufLA, bufHA)
        _wait(kB * _C, bufLB, bufHB, semB)

        @pl.when(kB + 1 < _NCH_Z)
        def _():
            _issue((kB + 1) * _C, bufLA, bufHA, semA)

        _compute(kB * _C, bufLB, bufHB)
        return c

    lax.fori_loop(0, _NCH_Z // 2, _j, 0)


def _fp_iter_body(src_hbm, dst_hbm, w_hbm, sinkf_hbm, pin_hbm,
                  pout_hbm,
                  srcA, dstA, wA, tvA,
                  srcB, dstB, wB, tvB,
                  zrep,
                  semz, semlA, semlB, semsA, semsB,
                  zacc):
    cid = lax.axis_index("c")
    tid = lax.axis_index("s")
    ebase = cid * _EH + tid * _ET
    nsl = tid * _NT

    def _lin_issue(off, sv, dv, wvv, sem):
        pltpu.async_copy(src_hbm.at[pl.ds(off, _C)], sv, sem)
        pltpu.async_copy(dst_hbm.at[pl.ds(off, _C)], dv, sem)
        pltpu.async_copy(w_hbm.at[pl.ds(off, _C)], wvv, sem)

    def _lin_wait(off, sv, dv, wvv, sem):
        pltpu.make_async_copy(src_hbm.at[pl.ds(off, _C)], sv, sem).wait()
        pltpu.make_async_copy(dst_hbm.at[pl.ds(off, _C)], dv, sem).wait()
        pltpu.make_async_copy(w_hbm.at[pl.ds(off, _C)], wvv, sem).wait()

    def _gather_mul(tvv, wvv, dvv):
        def _m(i, c2):
            s = pl.ds(i * 16, 16)
            zd = plsc.load_gather(zrep, [dvv[s]])
            tvv[s] = wvv[s] * zd
            return c2

        lax.fori_loop(0, _VPC, _m, 0)

    _combine_into_zrep(pin_hbm, zrep, wA, tvA, wB, tvB, semlA, semlB)

    def _zero_tvA(i, c):
        tvA[pl.ds(i * 16, 16)] = jnp.zeros((16,), jnp.float32)
        return c

    lax.fori_loop(0, _FQ // 16, _zero_tvA, 0)

    def _zq(q, c):
        pltpu.sync_copy(tvA.at[pl.ds(0, _FQ)],
                        zacc.at[pl.ds(nsl + q * _FQ, _FQ)])
        return c

    lax.fori_loop(0, 4, _zq, 0)
    plsc.subcore_barrier()

    _lin_issue(ebase, srcA, dstA, wA, semlA)

    def _chunk2(j, cc):
        kA = 2 * j
        kB = 2 * j + 1
        offA = ebase + kA * _C
        offB = ebase + kB * _C
        _lin_wait(offA, srcA, dstA, wA, semlA)

        @pl.when(j > 0)
        def _():
            pltpu.make_async_copy(tvB, zacc.at[srcB], semsB).wait()

        _lin_issue(offB, srcB, dstB, wB, semlB)
        _gather_mul(tvA, wA, dstA)
        dA = pltpu.async_copy(tvA, zacc.at[srcA], semsA, add=True)
        _lin_wait(offB, srcB, dstB, wB, semlB)
        dA.wait()

        @pl.when(kB + 1 < _NCH_E)
        def _():
            _lin_issue(ebase + (kB + 1) * _C, srcA, dstA, wA, semlA)

        _gather_mul(tvB, wB, dstB)
        pltpu.async_copy(tvB, zacc.at[srcB], semsB, add=True)
        return cc

    lax.fori_loop(0, _NCH_E // 2, _chunk2, 0)
    pltpu.make_async_copy(tvB, zacc.at[srcB], semsB).wait()
    plsc.subcore_barrier()

    def _finq(q, c):
        accsl = pl.ds(nsl + q * _FQ, _FQ)
        outsl = pl.ds(cid * _NP + nsl + q * _FQ, _FQ)
        sub = pl.ds(0, _FQ)
        pltpu.sync_copy(zacc.at[accsl], tvA.at[sub])
        pltpu.sync_copy(sinkf_hbm.at[pl.ds(nsl + q * _FQ, _FQ)],
                        wB.at[sub])

        def _fin(i, c2):
            s = pl.ds(i * 16, 16)
            sf = wB[s]
            tvA[s] = sf * 0.5 + (1.0 - sf) * tvA[s]
            return c2

        lax.fori_loop(0, _FQ // 16, _fin, 0)
        pltpu.sync_copy(tvA.at[sub], pout_hbm.at[outsl])
        return c

    lax.fori_loop(0, 4, _finq, 0)


def _probs_body(src_hbm, dst_hbm, w_hbm, pin_hbm,
                probs_hbm,
                srcA, dstA, wA, tvA,
                srcB, dstB, wB, tvB,
                zrep,
                semz, semlA, semlB, semsA, semsB):
    cid = lax.axis_index("c")
    tid = lax.axis_index("s")
    ebase = cid * _EH + tid * _ET

    _combine_into_zrep(pin_hbm, zrep, wA, tvA, wB, tvB, semlA, semlB)

    def _lin_issue(off, sv, dv, wvv, sem):
        pltpu.async_copy(src_hbm.at[pl.ds(off, _C)], sv, sem)
        pltpu.async_copy(dst_hbm.at[pl.ds(off, _C)], dv, sem)
        pltpu.async_copy(w_hbm.at[pl.ds(off, _C)], wvv, sem)

    def _lin_wait(off, sv, dv, wvv, sem):
        pltpu.make_async_copy(src_hbm.at[pl.ds(off, _C)], sv, sem).wait()
        pltpu.make_async_copy(dst_hbm.at[pl.ds(off, _C)], dv, sem).wait()
        pltpu.make_async_copy(w_hbm.at[pl.ds(off, _C)], wvv, sem).wait()

    def _probs_compute(tvv, wvv, svv, dvv):
        def _p(i, c2):
            s = pl.ds(i * 16, 16)
            zd = plsc.load_gather(zrep, [dvv[s]])
            zs = plsc.load_gather(zrep, [svv[s]])
            tvv[s] = wvv[s] * zd / zs
            return c2

        lax.fori_loop(0, _VPC, _p, 0)

    _lin_issue(ebase, srcA, dstA, wA, semlA)

    def _chunk2(j, cc):
        kA = 2 * j
        kB = 2 * j + 1
        offA = ebase + kA * _C
        offB = ebase + kB * _C
        _lin_wait(offA, srcA, dstA, wA, semlA)
        _lin_issue(offB, srcB, dstB, wB, semlB)
        _probs_compute(tvA, wA, srcA, dstA)
        pltpu.sync_copy(tvA, probs_hbm.at[pl.ds(offA, _C)])
        _lin_wait(offB, srcB, dstB, wB, semlB)

        @pl.when(kB + 1 < _NCH_E)
        def _():
            _lin_issue(ebase + (kB + 1) * _C, srcA, dstA, wA, semlA)

        _probs_compute(tvB, wB, srcB, dstB)
        pltpu.sync_copy(tvB, probs_hbm.at[pl.ds(offB, _C)])
        return cc

    lax.fori_loop(0, _NCH_E // 2, _chunk2, 0)


_SC_SCRATCH = [
    pltpu.VMEM((_C,), jnp.int32),
    pltpu.VMEM((_C,), jnp.int32),
    pltpu.VMEM((_C,), jnp.float32),
    pltpu.VMEM((_C,), jnp.float32),
    pltpu.VMEM((_C,), jnp.int32),
    pltpu.VMEM((_C,), jnp.int32),
    pltpu.VMEM((_C,), jnp.float32),
    pltpu.VMEM((_C,), jnp.float32),
    pltpu.VMEM((_N,), jnp.float32),
    pltpu.SemaphoreType.DMA,
    pltpu.SemaphoreType.DMA,
    pltpu.SemaphoreType.DMA,
    pltpu.SemaphoreType.DMA,
    pltpu.SemaphoreType.DMA,
]


def kernel(edge_index, edge_feats, sink_node_mask, W, b):
    sinkf = jnp.pad(sink_node_mask.astype(jnp.float32), (0, _NP - _N))

    feats128 = edge_feats.reshape(_E // 128, 2048)
    m = jnp.kron(jnp.eye(128, dtype=jnp.float32), W)
    eb = 200
    ebf = eb * 128
    rewards, exp_rewards, src, dst = pl.pallas_call(
        _encoder_body,
        grid=(_E // 128 // eb,),
        in_specs=[
            pl.BlockSpec((eb, 2048), lambda i: (i, 0)),
            pl.BlockSpec((2048, 128), lambda i: (0, 0)),
            pl.BlockSpec((1, 1), lambda i: (0, 0)),
            pl.BlockSpec((2, ebf), lambda i: (0, i)),
        ],
        out_specs=[
            pl.BlockSpec((ebf,), lambda i: (i,)),
            pl.BlockSpec((ebf,), lambda i: (i,)),
            pl.BlockSpec((ebf,), lambda i: (i,)),
            pl.BlockSpec((ebf,), lambda i: (i,)),
        ],
        out_shape=[
            jax.ShapeDtypeStruct((_E,), jnp.float32),
            jax.ShapeDtypeStruct((_E,), jnp.float32),
            jax.ShapeDtypeStruct((_E,), jnp.int32),
            jax.ShapeDtypeStruct((_E,), jnp.int32),
        ],
    )(feats128, m, b.reshape(1, 1), edge_index)

    mesh = plsc.VectorSubcoreMesh(
        core_axis_name="c", subcore_axis_name="s", num_cores=_NC)
    fp_iter = pl.kernel(
        _fp_iter_body,
        out_type=jax.ShapeDtypeStruct((_NC * _NP,), jnp.float32),
        mesh=mesh,
        compiler_params=pltpu.CompilerParams(needs_layout_passes=False),
        scratch_types=_SC_SCRATCH + [pltpu.VMEM_SHARED((_NP,), jnp.float32)],
    )
    fp_probs = pl.kernel(
        _probs_body,
        out_type=jax.ShapeDtypeStruct((_E,), jnp.float32),
        mesh=mesh,
        compiler_params=pltpu.CompilerParams(needs_layout_passes=False),
        scratch_types=_SC_SCRATCH,
    )

    def _step(p, _):
        return fp_iter(src, dst, exp_rewards, sinkf, p), None

    p0 = jnp.zeros((_NC * _NP,), jnp.float32)
    p, _ = lax.scan(_step, p0, None, length=_ITERS)

    edge_probs = fp_probs(src, dst, exp_rewards, p)

    values = pl.pallas_call(
        _log_body,
        out_shape=jax.ShapeDtypeStruct((784, 128), jnp.float32),
    )(p.reshape(_NC, 784, 128)).reshape(_NP)[:_N]

    return rewards, values, edge_probs

# --- scband reference (transcript-rebuilt; emitter-appended) ---
"""Pipeline reference for scband-recursive-logit-route-choice-61838939128307 (READ-ONLY COPY).

The authoritative reference and input builder live on the scoring server;
editing this copy changes nothing except your own understanding.
"""

import jax, jax.numpy as jnp
import numpy as np

N = 100000
E = 3200000
D = 16
ITERS = 60


def setup_inputs(seed: int = 0) -> dict:
    key = jax.random.key(seed)
    k1, k2, k3, k4 = jax.random.split(key, 4)
    edge_index = jax.random.randint(k1, (2, E), 0, N, dtype=jnp.int32)
    edge_feats = jax.random.normal(k2, (E, D), dtype=jnp.float32)
    sink_node_mask = jax.random.randint(k3, (N,), 0, 2, dtype=jnp.int32) > 0
    # encoder = Linear(16, 1); bias initialized positive so exp(rewards) is small
    # and the recursive-logit fixed point is a contraction (sum over ~32 out-edges < 1).
    W = jax.random.normal(k4, (D, 1), dtype=jnp.float32) * 0.1
    b = jnp.full((1,), 5.0, dtype=jnp.float32)
    return {"edge_index": edge_index, "edge_feats": edge_feats,
            "sink_node_mask": sink_node_mask, "W": W, "b": b}


def reference(edge_index, edge_feats, sink_node_mask, W, b):
    # encoder + reward transform
    rewards = -jax.nn.softplus(edge_feats @ W + b)[:, 0]
    exp_rewards = jnp.exp(rewards)
    src = edge_index[0]
    dst = edge_index[1]
    sink_f = sink_node_mask.astype(exp_rewards.dtype)

    # RLFixedPoint: z <- A z (scatter-add of exp_rewards * z[dst] onto src),
    # then overwrite sink nodes with 1.0. Solved by fixed-point iteration
    # (stands in for torchdeq anderson solver, f_tol=1e-6).
    def step(z, _):
        Az = jax.ops.segment_sum(exp_rewards * z[dst], src, num_segments=N)
        z_new = jnp.where(sink_node_mask, jnp.ones_like(Az), Az)
        return z_new, None

    z, _ = jax.lax.scan(step, sink_f, None, length=ITERS)

    values = jnp.log(z)
    # EdgeProb: P(e=(i,j)) = exp(r_e) * z_j / z_i
    edge_probs = exp_rewards * z[dst] / z[src]
    return rewards, values, edge_probs

if __name__ == "__main__":
    import jax
    _d = setup_inputs()
    print(jax.jit(kernel)(*tuple(_d.values())))

</pallas_src>

<mosaic_0001>
#map = affine_map<(d0, d1) -> (0)>
module attributes {stable_mosaic.version = 14 : i64} {
  func.func @_probs_body(%arg0: i32, %arg1: i32, %arg2: memref<3200000xi32, #tpu.memory_space<hbm>>, %arg3: memref<3200000xi32, #tpu.memory_space<hbm>>, %arg4: memref<3200000xf32, #tpu.memory_space<hbm>>, %arg5: memref<200704xf32, #tpu.memory_space<hbm>>, %arg6: memref<3200000xf32, #tpu.memory_space<hbm>>, %arg7: memref<2000xi32, #tpu.memory_space<vmem>>, %arg8: memref<2000xi32, #tpu.memory_space<vmem>>, %arg9: memref<2000xf32, #tpu.memory_space<vmem>>, %arg10: memref<2000xf32, #tpu.memory_space<vmem>>, %arg11: memref<2000xi32, #tpu.memory_space<vmem>>, %arg12: memref<2000xi32, #tpu.memory_space<vmem>>, %arg13: memref<2000xf32, #tpu.memory_space<vmem>>, %arg14: memref<2000xf32, #tpu.memory_space<vmem>>, %arg15: memref<100000xf32, #tpu.memory_space<vmem>>, %arg16: memref<!tpu.dma_semaphore, #tpu.memory_space<semaphore_mem>>, %arg17: memref<!tpu.dma_semaphore, #tpu.memory_space<semaphore_mem>>, %arg18: memref<!tpu.dma_semaphore, #tpu.memory_space<semaphore_mem>>, %arg19: memref<!tpu.dma_semaphore, #tpu.memory_space<semaphore_mem>>, %arg20: memref<!tpu.dma_semaphore, #tpu.memory_space<semaphore_mem>>) attributes {dimension_semantics = [#tpu.dimension_semantics<core_parallel>, #tpu.dimension_semantics<subcore_parallel>], iteration_bounds = array<i64: 2, 16>, scalar_prefetch = 0 : i64, scratch_operands = 14 : i64, tpu.core_type = #tpu.core_type<sc_vector_subcore>, window_params = [{transform_indices = #map}, {transform_indices = #map}, {transform_indices = #map}, {transform_indices = #map}, {transform_indices = #map}]} {
    %mul3A = arith.constant 1600000 : i32
    %mul3A_0 = arith.muli %arg0, %mul3A : i32
    %mul3A_1 = arith.constant 100000 : i32
    %mul3A_2 = arith.muli %arg1, %mul3A_1 : i32
    %add3A = arith.addi %mul3A_0, %mul3A_2 : i32
    %dma_start3A = arith.constant 0 : i32
    %dma_start3A_3 = tpu.memref_slice %arg5[%dma_start3A] : memref<200704xf32, #tpu.memory_space<hbm>> -> memref<2000xf32, #tpu.memory_space<hbm>>
    %dma_start3A_4 = arith.constant 0 : i32
    %dma_start3A_5 = tpu.memref_slice %arg5[%dma_start3A_4] : memref<200704xf32, #tpu.memory_space<hbm>> -> memref<2000xf32, #tpu.memory_space<hbm>>
    tpu.enqueue_dma source(%dma_start3A_5 : memref<2000xf32, #tpu.memory_space<hbm>>) target(%arg9 : memref<2000xf32, #tpu.memory_space<vmem>>) target_semaphore(%arg17 : memref<!tpu.dma_semaphore, #tpu.memory_space<semaphore_mem>>)
    %dma_start3A_6 = arith.constant 100352 : i32
    %dma_start3A_7 = tpu.memref_slice %arg5[%dma_start3A_6] : memref<200704xf32, #tpu.memory_space<hbm>> -> memref<2000xf32, #tpu.memory_space<hbm>>
    %dma_start3A_8 = arith.constant 100352 : i32
    %dma_start3A_9 = tpu.memref_slice %arg5[%dma_start3A_8] : memref<200704xf32, #tpu.memory_space<hbm>> -> memref<2000xf32, #tpu.memory_space<hbm>>
    tpu.enqueue_dma source(%dma_start3A_9 : memref<2000xf32, #tpu.memory_space<hbm>>) target(%arg10 : memref<2000xf32, #tpu.memory_space<vmem>>) target_semaphore(%arg17 : memref<!tpu.dma_semaphore, #tpu.memory_space<semaphore_mem>>)
    %scan3A = arith.constant 0 : i32
    %scan3A_10 = arith.constant 0 : i32
    %scan3A_11 = arith.constant 25 : i32
    %scan3A_12 = arith.addi %scan3A_10, %scan3A_11 : i32
    %scan3A_13 = arith.constant 1 : i32
    scf.for %scan3A_27 = %scan3A_10 to %scan3A_12 step %scan3A_13  : i32 {
      %mul3A_28 = arith.constant 2 : i32
      %mul3A_29 = arith.muli %mul3A_28, %scan3A_27 : i32
      %mul3A_30 = arith.constant 2 : i32
      %mul3A_31 = arith.muli %mul3A_30, %scan3A_27 : i32
      %add3A_32 = arith.constant 1 : i32
      %add3A_33 = arith.addi %mul3A_31, %add3A_32 : i32
      %mul3A_34 = arith.constant 2000 : i32
      %mul3A_35 = arith.muli %mul3A_29, %mul3A_34 : i32
      %dma_wait3A = tpu.memref_slice %arg5[%mul3A_35] : memref<200704xf32, #tpu.memory_space<hbm>> -> memref<2000xf32, #tpu.memory_space<hbm>>
      %dma_wait3A_36 = tpu.memref_slice %arg5[%mul3A_35] : memref<200704xf32, #tpu.memory_space<hbm>> -> memref<2000xf32, #tpu.memory_space<hbm>>
      tpu.wait_dma2 semaphore(%arg17 : memref<!tpu.dma_semaphore, #tpu.memory_space<semaphore_mem>>) src(%dma_wait3A_36 : memref<2000xf32, #tpu.memory_space<hbm>>) dst(%arg9 : memref<2000xf32, #tpu.memory_space<vmem>>)
      %add3A_37 = arith.constant 100352 : i32
      %add3A_38 = arith.addi %add3A_37, %mul3A_35 : i32
      %dma_wait3A_39 = tpu.memref_slice %arg5[%add3A_38] : memref<200704xf32, #tpu.memory_space<hbm>> -> memref<2000xf32, #tpu.memory_space<hbm>>
      %dma_wait3A_40 = tpu.memref_slice %arg5[%add3A_38] : memref<200704xf32, #tpu.memory_space<hbm>> -> memref<2000xf32, #tpu.memory_space<hbm>>
      tpu.wait_dma2 semaphore(%arg17 : memref<!tpu.dma_semaphore, #tpu.memory_space<semaphore_mem>>) src(%dma_wait3A_40 : memref<2000xf32, #tpu.memory_space<hbm>>) dst(%arg10 : memref<2000xf32, #tpu.memory_space<vmem>>)
      %mul3A_41 = arith.constant 2000 : i32
      %mul3A_42 = arith.muli %add3A_33, %mul3A_41 : i32
      %dma_start3A_43 = tpu.memref_slice %arg5[%mul3A_42] : memref<200704xf32, #tpu.memory_space<hbm>> -> memref<2000xf32, #tpu.memory_space<hbm>>
      %dma_start3A_44 = tpu.memref_slice %arg5[%mul3A_42] : memref<200704xf32, #tpu.memory_space<hbm>> -> memref<2000xf32, #tpu.memory_space<hbm>>
      tpu.enqueue_dma source(%dma_start3A_44 : memref<2000xf32, #tpu.memory_space<hbm>>) target(%arg13 : memref<2000xf32, #tpu.memory_space<vmem>>) target_semaphore(%arg18 : memref<!tpu.dma_semaphore, #tpu.memory_space<semaphore_mem>>)
      %add3A_45 = arith.constant 100352 : i32
      %add3A_46 = arith.addi %add3A_45, %mul3A_42 : i32
      %dma_start3A_47 = tpu.memref_slice %arg5[%add3A_46] : memref<200704xf32, #tpu.memory_space<hbm>> -> memref<2000xf32, #tpu.memory_space<hbm>>
      %dma_start3A_48 = tpu.memref_slice %arg5[%add3A_46] : memref<200704xf32, #tpu.memory_space<hbm>> -> memref<2000xf32, #tpu.memory_space<hbm>>
      tpu.enqueue_dma source(%dma_start3A_48 : memref<2000xf32, #tpu.memory_space<hbm>>) target(%arg14 : memref<2000xf32, #tpu.memory_space<vmem>>) target_semaphore(%arg18 : memref<!tpu.dma_semaphore, #tpu.memory_space<semaphore_mem>>)
      %mul3A_49 = arith.constant 2000 : i32
      %mul3A_50 = arith.muli %mul3A_29, %mul3A_49 : i32
      %scan3A_51 = arith.constant 0 : i32
      %scan3A_52 = arith.constant 0 : i32
      %scan3A_53 = arith.constant 125 : i32
      %scan3A_54 = arith.addi %scan3A_52, %scan3A_53 : i32
      %scan3A_55 = arith.constant 1 : i32
      scf.for %scan3A_77 = %scan3A_52 to %scan3A_54 step %scan3A_55  : i32 {
        %mul3A_78 = arith.constant 16 : i32
        %mul3A_79 = arith.muli %scan3A_77, %mul3A_78 : i32
        %get3A = arith.index_cast %mul3A_79 : i32 to index
        %get3A_80 = tpu.vector_load %arg9[%get3A] {strides = array<i32>} : memref<2000xf32, #tpu.memory_space<vmem>>, vector<16xf32>,
        %get3A_81 = arith.index_cast %mul3A_79 : i32 to index
        %get3A_82 = tpu.vector_load %arg10[%get3A_81] {strides = array<i32>} : memref<2000xf32, #tpu.memory_space<vmem>>, vector<16xf32>,
        %add3A_83 = arith.addf %get3A_80, %get3A_82 : vector<16xf32>
        %mul3A_84 = arith.constant 16 : i32
        %mul3A_85 = arith.muli %scan3A_77, %mul3A_84 : i32
        %add3A_86 = arith.addi %mul3A_50, %mul3A_85 : i32
        %swap3A = arith.index_cast %add3A_86 : i32 to index
        %swap3A_87 = tpu.vector_load %arg15[%swap3A] {strides = array<i32>} : memref<100000xf32, #tpu.memory_space<vmem>>, vector<16xf32>,
        tpu.vector_store %arg15[%swap3A], %add3A_83 {strides = array<i32>} : memref<100000xf32, #tpu.memory_space<vmem>>, vector<16xf32>,
      }
      %scan3A_56 = arith.constant 125 : i32
      %mul3A_57 = arith.constant 2000 : i32
      %mul3A_58 = arith.muli %add3A_33, %mul3A_57 : i32
      %dma_wait3A_59 = tpu.memref_slice %arg5[%mul3A_58] : memref<200704xf32, #tpu.memory_space<hbm>> -> memref<2000xf32, #tpu.memory_space<hbm>>
      %dma_wait3A_60 = tpu.memref_slice %arg5[%mul3A_58] : memref<200704xf32, #tpu.memory_space<hbm>> -> memref<2000xf32, #tpu.memory_space<hbm>>
      tpu.wait_dma2 semaphore(%arg18 : memref<!tpu.dma_semaphore, #tpu.memory_space<semaphore_mem>>) src(%dma_wait3A_60 : memref<2000xf32, #tpu.memory_space<hbm>>) dst(%arg13 : memref<2000xf32, #tpu.memory_space<vmem>>)
      %add3A_61 = arith.constant 100352 : i32
      %add3A_62 = arith.addi %add3A_61, %mul3A_58 : i32
      %dma_wait3A_63 = tpu.memref_slice %arg5[%add3A_62] : memref<200704xf32, #tpu.memory_space<hbm>> -> memref<2000xf32, #tpu.memory_space<hbm>>
      %dma_wait3A_64 = tpu.memref_slice %arg5[%add3A_62] : memref<200704xf32, #tpu.memory_space<hbm>> -> memref<2000xf32, #tpu.memory_space<hbm>>
      tpu.wait_dma2 semaphore(%arg18 : memref<!tpu.dma_semaphore, #tpu.memory_space<semaphore_mem>>) src(%dma_wait3A_64 : memref<2000xf32, #tpu.memory_space<hbm>>) dst(%arg14 : memref<2000xf32, #tpu.memory_space<vmem>>)
      %add3A_65 = arith.constant 1 : i32
      %add3A_66 = arith.addi %add3A_33, %add3A_65 : i32
      %lt3A = arith.constant 50 : i32
      %lt3A_67 = arith.cmpi slt, %add3A_66, %lt3A : i32
      %convert_element_type3A = arith.extui %lt3A_67 : i1 to i32
      %cond3A = arith.constant 0 : i32
      %cond3A_68 = arith.cmpi ne, %convert_element_type3A, %cond3A : i32
      scf.if %cond3A_68 {
        %add3A_77 = arith.constant 1 : i32
        %add3A_78 = arith.addi %add3A_33, %add3A_77 : i32
        %mul3A_79 = arith.constant 2000 : i32
        %mul3A_80 = arith.muli %add3A_78, %mul3A_79 : i32
        %dma_start3A_81 = tpu.memref_slice %arg5[%mul3A_80] : memref<200704xf32, #tpu.memory_space<hbm>> -> memref<2000xf32, #tpu.memory_space<hbm>>
        %dma_start3A_82 = tpu.memref_slice %arg5[%mul3A_80] : memref<200704xf32, #tpu.memory_space<hbm>> -> memref<2000xf32, #tpu.memory_space<hbm>>
        tpu.enqueue_dma source(%dma_start3A_82 : memref<2000xf32, #tpu.memory_space<hbm>>) target(%arg9 : memref<2000xf32, #tpu.memory_space<vmem>>) target_semaphore(%arg17 : memref<!tpu.dma_semaphore, #tpu.memory_space<semaphore_mem>>)
        %add3A_83 = arith.constant 100352 : i32
        %add3A_84 = arith.addi %add3A_83, %mul3A_80 : i32
        %dma_start3A_85 = tpu.memref_slice %arg5[%add3A_84] : memref<200704xf32, #tpu.memory_space<hbm>> -> memref<2000xf32, #tpu.memory_space<hbm>>
        %dma_start3A_86 = tpu.memref_slice %arg5[%add3A_84] : memref<200704xf32, #tpu.memory_space<hbm>> -> memref<2000xf32, #tpu.memory_space<hbm>>
        tpu.enqueue_dma source(%dma_start3A_86 : memref<2000xf32, #tpu.memory_space<hbm>>) target(%arg10 : memref<2000xf32, #tpu.memory_space<vmem>>) target_semaphore(%arg17 : memref<!tpu.dma_semaphore, #tpu.memory_space<semaphore_mem>>)
      } else {
      }
      %mul3A_69 = arith.constant 2000 : i32
      %mul3A_70 = arith.muli %add3A_33, %mul3A_69 : i32
      %scan3A_71 = arith.constant 0 : i32
      %scan3A_72 = arith.constant 0 : i32
      %scan3A_73 = arith.constant 125 : i32
      %scan3A_74 = arith.addi %scan3A_72, %scan3A_73 : i32
      %scan3A_75 = arith.constant 1 : i32
      scf.for %scan3A_77 = %scan3A_72 to %scan3A_74 step %scan3A_75  : i32 {
        %mul3A_78 = arith.constant 16 : i32
        %mul3A_79 = arith.muli %scan3A_77, %mul3A_78 : i32
        %get3A = arith.index_cast %mul3A_79 : i32 to index
        %get3A_80 = tpu.vector_load %arg13[%get3A] {strides = array<i32>} : memref<2000xf32, #tpu.memory_space<vmem>>, vector<16xf32>,
        %get3A_81 = arith.index_cast %mul3A_79 : i32 to index
        %get3A_82 = tpu.vector_load %arg14[%get3A_81] {strides = array<i32>} : memref<2000xf32, #tpu.memory_space<vmem>>, vector<16xf32>,
        %add3A_83 = arith.addf %get3A_80, %get3A_82 : vector<16xf32>
        %mul3A_84 = arith.constant 16 : i32
        %mul3A_85 = arith.muli %scan3A_77, %mul3A_84 : i32
        %add3A_86 = arith.addi %mul3A_70, %mul3A_85 : i32
        %swap3A = arith.index_cast %add3A_86 : i32 to index
        %swap3A_87 = tpu.vector_load %arg15[%swap3A] {strides = array<i32>} : memref<100000xf32, #tpu.memory_space<vmem>>, vector<16xf32>,
        tpu.vector_store %arg15[%swap3A], %add3A_83 {strides = array<i32>} : memref<100000xf32, #tpu.memory_space<vmem>>, vector<16xf32>,
      }
      %scan3A_76 = arith.constant 125 : i32
    }
    %scan3A_14 = arith.constant 25 : i32
    %dma_start3A_15 = tpu.memref_slice %arg2[%add3A] : memref<3200000xi32, #tpu.memory_space<hbm>> -> memref<2000xi32, #tpu.memory_space<hbm>>
    %dma_start3A_16 = tpu.memref_slice %arg2[%add3A] : memref<3200000xi32, #tpu.memory_space<hbm>> -> memref<2000xi32, #tpu.memory_space<hbm>>
    tpu.enqueue_dma source(%dma_start3A_16 : memref<2000xi32, #tpu.memory_space<hbm>>) target(%arg7 : memref<2000xi32, #tpu.memory_space<vmem>>) target_semaphore(%arg17 : memref<!tpu.dma_semaphore, #tpu.memory_space<semaphore_mem>>)
    %dma_start3A_17 = tpu.memref_slice %arg3[%add3A] : memref<3200000xi32, #tpu.memory_space<hbm>> -> memref<2000xi32, #tpu.memory_space<hbm>>
    %dma_start3A_18 = tpu.memref_slice %arg3[%add3A] : memref<3200000xi32, #tpu.memory_space<hbm>> -> memref<2000xi32, #tpu.memory_space<hbm>>
    tpu.enqueue_dma source(%dma_start3A_18 : memref<2000xi32, #tpu.memory_space<hbm>>) target(%arg8 : memref<2000xi32, #tpu.memory_space<vmem>>) target_semaphore(%arg17 : memref<!tpu.dma_semaphore, #tpu.memory_space<semaphore_mem>>)
    %dma_start3A_19 = tpu.memref_slice %arg4[%add3A] : memref<3200000xf32, #tpu.memory_space<hbm>> -> memref<2000xf32, #tpu.memory_space<hbm>>
    %dma_start3A_20 = tpu.memref_slice %arg4[%add3A] : memref<3200000xf32, #tpu.memory_space<hbm>> -> memref<2000xf32, #tpu.memory_space<hbm>>
    tpu.enqueue_dma source(%dma_start3A_20 : memref<2000xf32, #tpu.memory_space<hbm>>) target(%arg9 : memref<2000xf32, #tpu.memory_space<vmem>>) target_semaphore(%arg17 : memref<!tpu.dma_semaphore, #tpu.memory_space<semaphore_mem>>)
    %scan3A_21 = arith.constant 0 : i32
    %scan3A_22 = arith.constant 0 : i32
    %scan3A_23 = arith.constant 25 : i32
    %scan3A_24 = arith.addi %scan3A_22, %scan3A_23 : i32
    %scan3A_25 = arith.constant 1 : i32
    scf.for %scan3A_27 = %scan3A_22 to %scan3A_24 step %scan3A_25  : i32 {
      %mul3A_28 = arith.constant 2 : i32
      %mul3A_29 = arith.muli %mul3A_28, %scan3A_27 : i32
      %mul3A_30 = arith.constant 2 : i32
      %mul3A_31 = arith.muli %mul3A_30, %scan3A_27 : i32
      %add3A_32 = arith.constant 1 : i32
      %add3A_33 = arith.addi %mul3A_31, %add3A_32 : i32
      %mul3A_34 = arith.constant 2000 : i32
      %mul3A_35 = arith.muli %mul3A_29, %mul3A_34 : i32
      %add3A_36 = arith.addi %add3A, %mul3A_35 : i32
      %mul3A_37 = arith.constant 2000 : i32
      %mul3A_38 = arith.muli %add3A_33, %mul3A_37 : i32
      %add3A_39 = arith.addi %add3A, %mul3A_38 : i32
      %dma_wait3A = tpu.memref_slice %arg2[%add3A_36] : memref<3200000xi32, #tpu.memory_space<hbm>> -> memref<2000xi32, #tpu.memory_space<hbm>>
      %dma_wait3A_40 = tpu.memref_slice %arg2[%add3A_36] : memref<3200000xi32, #tpu.memory_space<hbm>> -> memref<2000xi32, #tpu.memory_space<hbm>>
      tpu.wait_dma2 semaphore(%arg17 : memref<!tpu.dma_semaphore, #tpu.memory_space<semaphore_mem>>) src(%dma_wait3A_40 : memref<2000xi32, #tpu.memory_space<hbm>>) dst(%arg7 : memref<2000xi32, #tpu.memory_space<vmem>>)
      %dma_wait3A_41 = tpu.memref_slice %arg3[%add3A_36] : memref<3200000xi32, #tpu.memory_space<hbm>> -> memref<2000xi32, #tpu.memory_space<hbm>>
      %dma_wait3A_42 = tpu.memref_slice %arg3[%add3A_36] : memref<3200000xi32, #tpu.memory_space<hbm>> -> memref<2000xi32, #tpu.memory_space<hbm>>
      tpu.wait_dma2 semaphore(%arg17 : memref<!tpu.dma_semaphore, #tpu.memory_space<semaphore_mem>>) src(%dma_wait3A_42 : memref<2000xi32, #tpu.memory_space<hbm>>) dst(%arg8 : memref<2000xi32, #tpu.memory_space<vmem>>)
      %dma_wait3A_43 = tpu.memref_slice %arg4[%add3A_36] : memref<3200000xf32, #tpu.memory_space<hbm>> -> memref<2000xf32, #tpu.memory_space<hbm>>
      %dma_wait3A_44 = tpu.memref_slice %arg4[%add3A_36] : memref<3200000xf32, #tpu.memory_space<hbm>> -> memref<2000xf32, #tpu.memory_space<hbm>>
      tpu.wait_dma2 semaphore(%arg17 : memref<!tpu.dma_semaphore, #tpu.memory_space<semaphore_mem>>) src(%dma_wait3A_44 : memref<2000xf32, #tpu.memory_space<hbm>>) dst(%arg9 : memref<2000xf32, #tpu.memory_space<vmem>>)
      %dma_start3A_45 = tpu.memref_slice %arg2[%add3A_39] : memref<3200000xi32, #tpu.memory_space<hbm>> -> memref<2000xi32, #tpu.memory_space<hbm>>
      %dma_start3A_46 = tpu.memref_slice %arg2[%add3A_39] : memref<3200000xi32, #tpu.memory_space<hbm>> -> memref<2000xi32, #tpu.memory_space<hbm>>
      tpu.enqueue_dma source(%dma_start3A_46 : memref<2000xi32, #tpu.memory_space<hbm>>) target(%arg11 : memref<2000xi32, #tpu.memory_space<vmem>>) target_semaphore(%arg18 : memref<!tpu.dma_semaphore, #tpu.memory_space<semaphore_mem>>)
      %dma_start3A_47 = tpu.memref_slice %arg3[%add3A_39] : memref<3200000xi32, #tpu.memory_space<hbm>> -> memref<2000xi32, #tpu.memory_space<hbm>>
      %dma_start3A_48 = tpu.memref_slice %arg3[%add3A_39] : memref<3200000xi32, #tpu.memory_space<hbm>> -> memref<2000xi32, #tpu.memory_space<hbm>>
      tpu.enqueue_dma source(%dma_start3A_48 : memref<2000xi32, #tpu.memory_space<hbm>>) target(%arg12 : memref<2000xi32, #tpu.memory_space<vmem>>) target_semaphore(%arg18 : memref<!tpu.dma_semaphore, #tpu.memory_space<semaphore_mem>>)
      %dma_start3A_49 = tpu.memref_slice %arg4[%add3A_39] : memref<3200000xf32, #tpu.memory_space<hbm>> -> memref<2000xf32, #tpu.memory_space<hbm>>
      %dma_start3A_50 = tpu.memref_slice %arg4[%add3A_39] : memref<3200000xf32, #tpu.memory_space<hbm>> -> memref<2000xf32, #tpu.memory_space<hbm>>
      tpu.enqueue_dma source(%dma_start3A_50 : memref<2000xf32, #tpu.memory_space<hbm>>) target(%arg13 : memref<2000xf32, #tpu.memory_space<vmem>>) target_semaphore(%arg18 : memref<!tpu.dma_semaphore, #tpu.memory_space<semaphore_mem>>)
      %scan3A_51 = arith.constant 0 : i32
      %scan3A_52 = arith.constant 0 : i32
      %scan3A_53 = arith.constant 125 : i32
      %scan3A_54 = arith.addi %scan3A_52, %scan3A_53 : i32
      %scan3A_55 = arith.constant 1 : i32
      scf.for %scan3A_73 = %scan3A_52 to %scan3A_54 step %scan3A_55  : i32 {
        %mul3A_74 = arith.constant 16 : i32
        %mul3A_75 = arith.muli %scan3A_73, %mul3A_74 : i32
        %get3A = arith.index_cast %mul3A_75 : i32 to index
        %get3A_76 = tpu.vector_load %arg8[%get3A] {strides = array<i32>} : memref<2000xi32, #tpu.memory_space<vmem>>, vector<16xi32>,
        %gather3A = tpu.vector_load_idx %arg15[%get3A_76] : memref<100000xf32, #tpu.memory_space<vmem>>[vector<16xi32>], vector<16xf32>,
        %get3A_77 = arith.index_cast %mul3A_75 : i32 to index
        %get3A_78 = tpu.vector_load %arg7[%get3A_77] {strides = array<i32>} : memref<2000xi32, #tpu.memory_space<vmem>>, vector<16xi32>,
        %gather3A_79 = tpu.vector_load_idx %arg15[%get3A_78] : memref<100000xf32, #tpu.memory_space<vmem>>[vector<16xi32>], vector<16xf32>,
        %get3A_80 = arith.index_cast %mul3A_75 : i32 to index
        %get3A_81 = tpu.vector_load %arg9[%get3A_80] {strides = array<i32>} : memref<2000xf32, #tpu.memory_space<vmem>>, vector<16xf32>,
        %mul3A_82 = arith.mulf %get3A_81, %gather3A : vector<16xf32>
        %div3A = arith.divf %mul3A_82, %gather3A_79 : vector<16xf32>
        %swap3A = arith.index_cast %mul3A_75 : i32 to index
        %swap3A_83 = tpu.vector_load %arg10[%swap3A] {strides = array<i32>} : memref<2000xf32, #tpu.memory_space<vmem>>, vector<16xf32>,
        tpu.vector_store %arg10[%swap3A], %div3A {strides = array<i32>} : memref<2000xf32, #tpu.memory_space<vmem>>, vector<16xf32>,
      }
      %scan3A_56 = arith.constant 125 : i32
      "tpu.region"() ({
        %run_scoped3A = tpu.sem_alloc : memref<!tpu.dma_semaphore, #tpu.memory_space<semaphore_mem>>
        %dma_start3A_73 = tpu.memref_slice %arg6[%add3A_36] : memref<3200000xf32, #tpu.memory_space<hbm>> -> memref<2000xf32, #tpu.memory_space<hbm>>
        %dma_start3A_74 = tpu.memref_slice %arg6[%add3A_36] : memref<3200000xf32, #tpu.memory_space<hbm>> -> memref<2000xf32, #tpu.memory_space<hbm>>
        tpu.enqueue_dma source(%arg10 : memref<2000xf32, #tpu.memory_space<vmem>>) target(%dma_start3A_74 : memref<2000xf32, #tpu.memory_space<hbm>>) target_semaphore(%run_scoped3A : memref<!tpu.dma_semaphore, #tpu.memory_space<semaphore_mem>>)
        %dma_wait3A_75 = tpu.memref_slice %arg6[%add3A_36] : memref<3200000xf32, #tpu.memory_space<hbm>> -> memref<2000xf32, #tpu.memory_space<hbm>>
        %dma_wait3A_76 = tpu.memref_slice %arg6[%add3A_36] : memref<3200000xf32, #tpu.memory_space<hbm>> -> memref<2000xf32, #tpu.memory_space<hbm>>
        tpu.wait_dma2 semaphore(%run_scoped3A : memref<!tpu.dma_semaphore, #tpu.memory_space<semaphore_mem>>) src(%arg10 : memref<2000xf32, #tpu.memory_space<vmem>>) dst(%dma_wait3A_76 : memref<2000xf32, #tpu.memory_space<hbm>>)
        tpu.yield
      }) : () -> ()
      %dma_wait3A_57 = tpu.memref_slice %arg2[%add3A_39] : memref<3200000xi32, #tpu.memory_space<hbm>> -> memref<2000xi32, #tpu.memory_space<hbm>>
      %dma_wait3A_58 = tpu.memref_slice %arg2[%add3A_39] : memref<3200000xi32, #tpu.memory_space<hbm>> -> memref<2000xi32, #tpu.memory_space<hbm>>
      tpu.wait_dma2 semaphore(%arg18 : memref<!tpu.dma_semaphore, #tpu.memory_space<semaphore_mem>>) src(%dma_wait3A_58 : memref<2000xi32, #tpu.memory_space<hbm>>) dst(%arg11 : memref<2000xi32, #tpu.memory_space<vmem>>)
      %dma_wait3A_59 = tpu.memref_slice %arg3[%add3A_39] : memref<3200000xi32, #tpu.memory_space<hbm>> -> memref<2000xi32, #tpu.memory_space<hbm>>
      %dma_wait3A_60 = tpu.memref_slice %arg3[%add3A_39] : memref<3200000xi32, #tpu.memory_space<hbm>> -> memref<2000xi32, #tpu.memory_space<hbm>>
      tpu.wait_dma2 semaphore(%arg18 : memref<!tpu.dma_semaphore, #tpu.memory_space<semaphore_mem>>) src(%dma_wait3A_60 : memref<2000xi32, #tpu.memory_space<hbm>>) dst(%arg12 : memref<2000xi32, #tpu.memory_space<vmem>>)
      %dma_wait3A_61 = tpu.memref_slice %arg4[%add3A_39] : memref<3200000xf32, #tpu.memory_space<hbm>> -> memref<2000xf32, #tpu.memory_space<hbm>>
      %dma_wait3A_62 = tpu.memref_slice %arg4[%add3A_39] : memref<3200000xf32, #tpu.memory_space<hbm>> -> memref<2000xf32, #tpu.memory_space<hbm>>
      tpu.wait_dma2 semaphore(%arg18 : memref<!tpu.dma_semaphore, #tpu.memory_space<semaphore_mem>>) src(%dma_wait3A_62 : memref<2000xf32, #tpu.memory_space<hbm>>) dst(%arg13 : memref<2000xf32, #tpu.memory_space<vmem>>)
      %add3A_63 = arith.constant 1 : i32
      %add3A_64 = arith.addi %add3A_33, %add3A_63 : i32
      %lt3A = arith.constant 50 : i32
      %lt3A_65 = arith.cmpi slt, %add3A_64, %lt3A : i32
      %convert_element_type3A = arith.extui %lt3A_65 : i1 to i32
      %cond3A = arith.constant 0 : i32
      %cond3A_66 = arith.cmpi ne, %convert_element_type3A, %cond3A : i32
      scf.if %cond3A_66 {
        %add3A_73 = arith.constant 1 : i32
        %add3A_74 = arith.addi %add3A_33, %add3A_73 : i32
        %mul3A_75 = arith.constant 2000 : i32
        %mul3A_76 = arith.muli %add3A_74, %mul3A_75 : i32
        %add3A_77 = arith.addi %add3A, %mul3A_76 : i32
        %dma_start3A_78 = tpu.memref_slice %arg2[%add3A_77] : memref<3200000xi32, #tpu.memory_space<hbm>> -> memref<2000xi32, #tpu.memory_space<hbm>>
        %dma_start3A_79 = tpu.memref_slice %arg2[%add3A_77] : memref<3200000xi32, #tpu.memory_space<hbm>> -> memref<2000xi32, #tpu.memory_space<hbm>>
        tpu.enqueue_dma source(%dma_start3A_79 : memref<2000xi32, #tpu.memory_space<hbm>>) target(%arg7 : memref<2000xi32, #tpu.memory_space<vmem>>) target_semaphore(%arg17 : memref<!tpu.dma_semaphore, #tpu.memory_space<semaphore_mem>>)
        %dma_start3A_80 = tpu.memref_slice %arg3[%add3A_77] : memref<3200000xi32, #tpu.memory_space<hbm>> -> memref<2000xi32, #tpu.memory_space<hbm>>
        %dma_start3A_81 = tpu.memref_slice %arg3[%add3A_77] : memref<3200000xi32, #tpu.memory_space<hbm>> -> memref<2000xi32, #tpu.memory_space<hbm>>
        tpu.enqueue_dma source(%dma_start3A_81 : memref<2000xi32, #tpu.memory_space<hbm>>) target(%arg8 : memref<2000xi32, #tpu.memory_space<vmem>>) target_semaphore(%arg17 : memref<!tpu.dma_semaphore, #tpu.memory_space<semaphore_mem>>)
        %dma_start3A_82 = tpu.memref_slice %arg4[%add3A_77] : memref<3200000xf32, #tpu.memory_space<hbm>> -> memref<2000xf32, #tpu.memory_space<hbm>>
        %dma_start3A_83 = tpu.memref_slice %arg4[%add3A_77] : memref<3200000xf32, #tpu.memory_space<hbm>> -> memref<2000xf32, #tpu.memory_space<hbm>>
        tpu.enqueue_dma source(%dma_start3A_83 : memref<2000xf32, #tpu.memory_space<hbm>>) target(%arg9 : memref<2000xf32, #tpu.memory_space<vmem>>) target_semaphore(%arg17 : memref<!tpu.dma_semaphore, #tpu.memory_space<semaphore_mem>>)
      } else {
      }
      %scan3A_67 = arith.constant 0 : i32
      %scan3A_68 = arith.constant 0 : i32
      %scan3A_69 = arith.constant 125 : i32
      %scan3A_70 = arith.addi %scan3A_68, %scan3A_69 : i32
      %scan3A_71 = arith.constant 1 : i32
      scf.for %scan3A_73 = %scan3A_68 to %scan3A_70 step %scan3A_71  : i32 {
        %mul3A_74 = arith.constant 16 : i32
        %mul3A_75 = arith.muli %scan3A_73, %mul3A_74 : i32
        %get3A = arith.index_cast %mul3A_75 : i32 to index
        %get3A_76 = tpu.vector_load %arg12[%get3A] {strides = array<i32>} : memref<2000xi32, #tpu.memory_space<vmem>>, vector<16xi32>,
        %gather3A = tpu.vector_load_idx %arg15[%get3A_76] : memref<100000xf32, #tpu.memory_space<vmem>>[vector<16xi32>], vector<16xf32>,
        %get3A_77 = arith.index_cast %mul3A_75 : i32 to index
        %get3A_78 = tpu.vector_load %arg11[%get3A_77] {strides = array<i32>} : memref<2000xi32, #tpu.memory_space<vmem>>, vector<16xi32>,
        %gather3A_79 = tpu.vector_load_idx %arg15[%get3A_78] : memref<100000xf32, #tpu.memory_space<vmem>>[vector<16xi32>], vector<16xf32>,
        %get3A_80 = arith.index_cast %mul3A_75 : i32 to index
        %get3A_81 = tpu.vector_load %arg13[%get3A_80] {strides = array<i32>} : memref<2000xf32, #tpu.memory_space<vmem>>, vector<16xf32>,
        %mul3A_82 = arith.mulf %get3A_81, %gather3A : vector<16xf32>
        %div3A = arith.divf %mul3A_82, %gather3A_79 : vector<16xf32>
        %swap3A = arith.index_cast %mul3A_75 : i32 to index
        %swap3A_83 = tpu.vector_load %arg14[%swap3A] {strides = array<i32>} : memref<2000xf32, #tpu.memory_space<vmem>>, vector<16xf32>,
        tpu.vector_store %arg14[%swap3A], %div3A {strides = array<i32>} : memref<2000xf32, #tpu.memory_space<vmem>>, vector<16xf32>,
      }
      %scan3A_72 = arith.constant 125 : i32
      "tpu.region"() ({
        %run_scoped3A = tpu.sem_alloc : memref<!tpu.dma_semaphore, #tpu.memory_space<semaphore_mem>>
        %dma_start3A_73 = tpu.memref_slice %arg6[%add3A_39] : memref<3200000xf32, #tpu.memory_space<hbm>> -> memref<2000xf32, #tpu.memory_space<hbm>>
        %dma_start3A_74 = tpu.memref_slice %arg6[%add3A_39] : memref<3200000xf32, #tpu.memory_space<hbm>> -> memref<2000xf32, #tpu.memory_space<hbm>>
        tpu.enqueue_dma source(%arg14 : memref<2000xf32, #tpu.memory_space<vmem>>) target(%dma_start3A_74 : memref<2000xf32, #tpu.memory_space<hbm>>) target_semaphore(%run_scoped3A : memref<!tpu.dma_semaphore, #tpu.memory_space<semaphore_mem>>)
        %dma_wait3A_75 = tpu.memref_slice %arg6[%add3A_39] : memref<3200000xf32, #tpu.memory_space<hbm>> -> memref<2000xf32, #tpu.memory_space<hbm>>
        %dma_wait3A_76 = tpu.memref_slice %arg6[%add3A_39] : memref<3200000xf32, #tpu.memory_space<hbm>> -> memref<2000xf32, #tpu.memory_space<hbm>>
        tpu.wait_dma2 semaphore(%run_scoped3A : memref<!tpu.dma_semaphore, #tpu.memory_space<semaphore_mem>>) src(%arg14 : memref<2000xf32, #tpu.memory_space<vmem>>) dst(%dma_wait3A_76 : memref<2000xf32, #tpu.memory_space<hbm>>)
        tpu.yield
      }) : () -> ()
    }
    %scan3A_26 = arith.constant 25 : i32
    return
  }
}

#map = affine_map<(d0, d1) -> (0)>
module attributes {stable_mosaic.version = 14 : i64} {
  func.func @_fp_iter_body(%arg0: i32, %arg1: i32, %arg2: memref<3200000xi32, #tpu.memory_space<hbm>>, %arg3: memref<3200000xi32, #tpu.memory_space<hbm>>, %arg4: memref<3200000xf32, #tpu.memory_space<hbm>>, %arg5: memref<100352xf32, #tpu.memory_space<hbm>>, %arg6: memref<200704xf32, #tpu.memory_space<hbm>>, %arg7: memref<200704xf32, #tpu.memory_space<hbm>>, %arg8: memref<2000xi32, #tpu.memory_space<vmem>>, %arg9: memref<2000xi32, #tpu.memory_space<vmem>>, %arg10: memref<2000xf32, #tpu.memory_space<vmem>>, %arg11: memref<2000xf32, #tpu.memory_space<vmem>>, %arg12: memref<2000xi32, #tpu.memory_space<vmem>>, %arg13: memref<2000xi32, #tpu.memory_space<vmem>>, %arg14: memref<2000xf32, #tpu.memory_space<vmem>>, %arg15: memref<2000xf32, #tpu.memory_space<vmem>>, %arg16: memref<100000xf32, #tpu.memory_space<vmem>>, %arg17: memref<!tpu.dma_semaphore, #tpu.memory_space<semaphore_mem>>, %arg18: memref<!tpu.dma_semaphore, #tpu.memory_space<semaphore_mem>>, %arg19: memref<!tpu.dma_semaphore, #tpu.memory_space<semaphore_mem>>, %arg20: memref<!tpu.dma_semaphore, #tpu.memory_space<semaphore_mem>>, %arg21: memref<!tpu.dma_semaphore, #tpu.memory_space<semaphore_mem>>, %arg22: memref<100352xf32, #tpu.memory_space<vmem_shared>>) attributes {dimension_semantics = [#tpu.dimension_semantics<core_parallel>, #tpu.dimension_semantics<subcore_parallel>], iteration_bounds = array<i64: 2, 16>, scalar_prefetch = 0 : i64, scratch_operands = 15 : i64, tpu.core_type = #tpu.core_type<sc_vector_subcore>, window_params = [{transform_indices = #map}, {transform_indices = #map}, {transform_indices = #map}, {transform_indices = #map}, {transform_indices = #map}, {transform_indices = #map}]} {
    %mul3A = arith.constant 1600000 : i32
    %mul3A_0 = arith.muli %arg0, %mul3A : i32
    %mul3A_1 = arith.constant 100000 : i32
    %mul3A_2 = arith.muli %arg1, %mul3A_1 : i32
    %add3A = arith.addi %mul3A_0, %mul3A_2 : i32
    %mul3A_3 = arith.constant 6272 : i32
    %mul3A_4 = arith.muli %arg1, %mul3A_3 : i32
    %dma_start3A = arith.constant 0 : i32
    %dma_start3A_5 = tpu.memref_slice %arg6[%dma_start3A] : memref<200704xf32, #tpu.memory_space<hbm>> -> memref<2000xf32, #tpu.memory_space<hbm>>
    %dma_start3A_6 = arith.constant 0 : i32
    %dma_start3A_7 = tpu.memref_slice %arg6[%dma_start3A_6] : memref<200704xf32, #tpu.memory_space<hbm>> -> memref<2000xf32, #tpu.memory_space<hbm>>
    tpu.enqueue_dma source(%dma_start3A_7 : memref<2000xf32, #tpu.memory_space<hbm>>) target(%arg10 : memref<2000xf32, #tpu.memory_space<vmem>>) target_semaphore(%arg18 : memref<!tpu.dma_semaphore, #tpu.memory_space<semaphore_mem>>)
    %dma_start3A_8 = arith.constant 100352 : i32
    %dma_start3A_9 = tpu.memref_slice %arg6[%dma_start3A_8] : memref<200704xf32, #tpu.memory_space<hbm>> -> memref<2000xf32, #tpu.memory_space<hbm>>
    %dma_start3A_10 = arith.constant 100352 : i32
    %dma_start3A_11 = tpu.memref_slice %arg6[%dma_start3A_10] : memref<200704xf32, #tpu.memory_space<hbm>> -> memref<2000xf32, #tpu.memory_space<hbm>>
    tpu.enqueue_dma source(%dma_start3A_11 : memref<2000xf32, #tpu.memory_space<hbm>>) target(%arg11 : memref<2000xf32, #tpu.memory_space<vmem>>) target_semaphore(%arg18 : memref<!tpu.dma_semaphore, #tpu.memory_space<semaphore_mem>>)
    %scan3A = arith.constant 0 : i32
    %scan3A_12 = arith.constant 0 : i32
    %scan3A_13 = arith.constant 25 : i32
    %scan3A_14 = arith.addi %scan3A_12, %scan3A_13 : i32
    %scan3A_15 = arith.constant 1 : i32
    scf.for %scan3A_49 = %scan3A_12 to %scan3A_14 step %scan3A_15  : i32 {
      %mul3A_50 = arith.constant 2 : i32
      %mul3A_51 = arith.muli %mul3A_50, %scan3A_49 : i32
      %mul3A_52 = arith.constant 2 : i32
      %mul3A_53 = arith.muli %mul3A_52, %scan3A_49 : i32
      %add3A_54 = arith.constant 1 : i32
      %add3A_55 = arith.addi %mul3A_53, %add3A_54 : i32
      %mul3A_56 = arith.constant 2000 : i32
      %mul3A_57 = arith.muli %mul3A_51, %mul3A_56 : i32
      %dma_wait3A_58 = tpu.memref_slice %arg6[%mul3A_57] : memref<200704xf32, #tpu.memory_space<hbm>> -> memref<2000xf32, #tpu.memory_space<hbm>>
      %dma_wait3A_59 = tpu.memref_slice %arg6[%mul3A_57] : memref<200704xf32, #tpu.memory_space<hbm>> -> memref<2000xf32, #tpu.memory_space<hbm>>
      tpu.wait_dma2 semaphore(%arg18 : memref<!tpu.dma_semaphore, #tpu.memory_space<semaphore_mem>>) src(%dma_wait3A_59 : memref<2000xf32, #tpu.memory_space<hbm>>) dst(%arg10 : memref<2000xf32, #tpu.memory_space<vmem>>)
      %add3A_60 = arith.constant 100352 : i32
      %add3A_61 = arith.addi %add3A_60, %mul3A_57 : i32
      %dma_wait3A_62 = tpu.memref_slice %arg6[%add3A_61] : memref<200704xf32, #tpu.memory_space<hbm>> -> memref<2000xf32, #tpu.memory_space<hbm>>
      %dma_wait3A_63 = tpu.memref_slice %arg6[%add3A_61] : memref<200704xf32, #tpu.memory_space<hbm>> -> memref<2000xf32, #tpu.memory_space<hbm>>
      tpu.wait_dma2 semaphore(%arg18 : memref<!tpu.dma_semaphore, #tpu.memory_space<semaphore_mem>>) src(%dma_wait3A_63 : memref<2000xf32, #tpu.memory_space<hbm>>) dst(%arg11 : memref<2000xf32, #tpu.memory_space<vmem>>)
      %mul3A_64 = arith.constant 2000 : i32
      %mul3A_65 = arith.muli %add3A_55, %mul3A_64 : i32
      %dma_start3A_66 = tpu.memref_slice %arg6[%mul3A_65] : memref<200704xf32, #tpu.memory_space<hbm>> -> memref<2000xf32, #tpu.memory_space<hbm>>
      %dma_start3A_67 = tpu.memref_slice %arg6[%mul3A_65] : memref<200704xf32, #tpu.memory_space<hbm>> -> memref<2000xf32, #tpu.memory_space<hbm>>
      tpu.enqueue_dma source(%dma_start3A_67 : memref<2000xf32, #tpu.memory_space<hbm>>) target(%arg14 : memref<2000xf32, #tpu.memory_space<vmem>>) target_semaphore(%arg19 : memref<!tpu.dma_semaphore, #tpu.memory_space<semaphore_mem>>)
      %add3A_68 = arith.constant 100352 : i32
      %add3A_69 = arith.addi %add3A_68, %mul3A_65 : i32
      %dma_start3A_70 = tpu.memref_slice %arg6[%add3A_69] : memref<200704xf32, #tpu.memory_space<hbm>> -> memref<2000xf32, #tpu.memory_space<hbm>>
      %dma_start3A_71 = tpu.memref_slice %arg6[%add3A_69] : memref<200704xf32, #tpu.memory_space<hbm>> -> memref<2000xf32, #tpu.memory_space<hbm>>
      tpu.enqueue_dma source(%dma_start3A_71 : memref<2000xf32, #tpu.memory_space<hbm>>) target(%arg15 : memref<2000xf32, #tpu.memory_space<vmem>>) target_semaphore(%arg19 : memref<!tpu.dma_semaphore, #tpu.memory_space<semaphore_mem>>)
      %mul3A_72 = arith.constant 2000 : i32
      %mul3A_73 = arith.muli %mul3A_51, %mul3A_72 : i32
      %scan3A_74 = arith.constant 0 : i32
      %scan3A_75 = arith.constant 0 : i32
      %scan3A_76 = arith.constant 125 : i32
      %scan3A_77 = arith.addi %scan3A_75, %scan3A_76 : i32
      %scan3A_78 = arith.constant 1 : i32
      scf.for %scan3A_100 = %scan3A_75 to %scan3A_77 step %scan3A_78  : i32 {
        %mul3A_101 = arith.constant 16 : i32
        %mul3A_102 = arith.muli %scan3A_100, %mul3A_101 : i32
        %get3A = arith.index_cast %mul3A_102 : i32 to index
        %get3A_103 = tpu.vector_load %arg10[%get3A] {strides = array<i32>} : memref<2000xf32, #tpu.memory_space<vmem>>, vector<16xf32>,
        %get3A_104 = arith.index_cast %mul3A_102 : i32 to index
        %get3A_105 = tpu.vector_load %arg11[%get3A_104] {strides = array<i32>} : memref<2000xf32, #tpu.memory_space<vmem>>, vector<16xf32>,
        %add3A_106 = arith.addf %get3A_103, %get3A_105 : vector<16xf32>
        %mul3A_107 = arith.constant 16 : i32
        %mul3A_108 = arith.muli %scan3A_100, %mul3A_107 : i32
        %add3A_109 = arith.addi %mul3A_73, %mul3A_108 : i32
        %swap3A = arith.index_cast %add3A_109 : i32 to index
        %swap3A_110 = tpu.vector_load %arg16[%swap3A] {strides = array<i32>} : memref<100000xf32, #tpu.memory_space<vmem>>, vector<16xf32>,
        tpu.vector_store %arg16[%swap3A], %add3A_106 {strides = array<i32>} : memref<100000xf32, #tpu.memory_space<vmem>>, vector<16xf32>,
      }
      %scan3A_79 = arith.constant 125 : i32
      %mul3A_80 = arith.constant 2000 : i32
      %mul3A_81 = arith.muli %add3A_55, %mul3A_80 : i32
      %dma_wait3A_82 = tpu.memref_slice %arg6[%mul3A_81] : memref<200704xf32, #tpu.memory_space<hbm>> -> memref<2000xf32, #tpu.memory_space<hbm>>
      %dma_wait3A_83 = tpu.memref_slice %arg6[%mul3A_81] : memref<200704xf32, #tpu.memory_space<hbm>> -> memref<2000xf32, #tpu.memory_space<hbm>>
      tpu.wait_dma2 semaphore(%arg19 : memref<!tpu.dma_semaphore, #tpu.memory_space<semaphore_mem>>) src(%dma_wait3A_83 : memref<2000xf32, #tpu.memory_space<hbm>>) dst(%arg14 : memref<2000xf32, #tpu.memory_space<vmem>>)
      %add3A_84 = arith.constant 100352 : i32
      %add3A_85 = arith.addi %add3A_84, %mul3A_81 : i32
      %dma_wait3A_86 = tpu.memref_slice %arg6[%add3A_85] : memref<200704xf32, #tpu.memory_space<hbm>> -> memref<2000xf32, #tpu.memory_space<hbm>>
      %dma_wait3A_87 = tpu.memref_slice %arg6[%add3A_85] : memref<200704xf32, #tpu.memory_space<hbm>> -> memref<2000xf32, #tpu.memory_space<hbm>>
      tpu.wait_dma2 semaphore(%arg19 : memref<!tpu.dma_semaphore, #tpu.memory_space<semaphore_mem>>) src(%dma_wait3A_87 : memref<2000xf32, #tpu.memory_space<hbm>>) dst(%arg15 : memref<2000xf32, #tpu.memory_space<vmem>>)
      %add3A_88 = arith.constant 1 : i32
      %add3A_89 = arith.addi %add3A_55, %add3A_88 : i32
      %lt3A = arith.constant 50 : i32
      %lt3A_90 = arith.cmpi slt, %add3A_89, %lt3A : i32
      %convert_element_type3A = arith.extui %lt3A_90 : i1 to i32
      %cond3A = arith.constant 0 : i32
      %cond3A_91 = arith.cmpi ne, %convert_element_type3A, %cond3A : i32
      scf.if %cond3A_91 {
        %add3A_100 = arith.constant 1 : i32
        %add3A_101 = arith.addi %add3A_55, %add3A_100 : i32
        %mul3A_102 = arith.constant 2000 : i32
        %mul3A_103 = arith.muli %add3A_101, %mul3A_102 : i32
        %dma_start3A_104 = tpu.memref_slice %arg6[%mul3A_103] : memref<200704xf32, #tpu.memory_space<hbm>> -> memref<2000xf32, #tpu.memory_space<hbm>>
        %dma_start3A_105 = tpu.memref_slice %arg6[%mul3A_103] : memref<200704xf32, #tpu.memory_space<hbm>> -> memref<2000xf32, #tpu.memory_space<hbm>>
        tpu.enqueue_dma source(%dma_start3A_105 : memref<2000xf32, #tpu.memory_space<hbm>>) target(%arg10 : memref<2000xf32, #tpu.memory_space<vmem>>) target_semaphore(%arg18 : memref<!tpu.dma_semaphore, #tpu.memory_space<semaphore_mem>>)
        %add3A_106 = arith.constant 100352 : i32
        %add3A_107 = arith.addi %add3A_106, %mul3A_103 : i32
        %dma_start3A_108 = tpu.memref_slice %arg6[%add3A_107] : memref<200704xf32, #tpu.memory_space<hbm>> -> memref<2000xf32, #tpu.memory_space<hbm>>
        %dma_start3A_109 = tpu.memref_slice %arg6[%add3A_107] : memref<200704xf32, #tpu.memory_space<hbm>> -> memref<2000xf32, #tpu.memory_space<hbm>>
        tpu.enqueue_dma source(%dma_start3A_109 : memref<2000xf32, #tpu.memory_space<hbm>>) target(%arg11 : memref<2000xf32, #tpu.memory_space<vmem>>) target_semaphore(%arg18 : memref<!tpu.dma_semaphore, #tpu.memory_space<semaphore_mem>>)
      } else {
      }
      %mul3A_92 = arith.constant 2000 : i32
      %mul3A_93 = arith.muli %add3A_55, %mul3A_92 : i32
      %scan3A_94 = arith.constant 0 : i32
      %scan3A_95 = arith.constant 0 : i32
      %scan3A_96 = arith.constant 125 : i32
      %scan3A_97 = arith.addi %scan3A_95, %scan3A_96 : i32
      %scan3A_98 = arith.constant 1 : i32
      scf.for %scan3A_100 = %scan3A_95 to %scan3A_97 step %scan3A_98  : i32 {
        %mul3A_101 = arith.constant 16 : i32
        %mul3A_102 = arith.muli %scan3A_100, %mul3A_101 : i32
        %get3A = arith.index_cast %mul3A_102 : i32 to index
        %get3A_103 = tpu.vector_load %arg14[%get3A] {strides = array<i32>} : memref<2000xf32, #tpu.memory_space<vmem>>, vector<16xf32>,
        %get3A_104 = arith.index_cast %mul3A_102 : i32 to index
        %get3A_105 = tpu.vector_load %arg15[%get3A_104] {strides = array<i32>} : memref<2000xf32, #tpu.memory_space<vmem>>, vector<16xf32>,
        %add3A_106 = arith.addf %get3A_103, %get3A_105 : vector<16xf32>
        %mul3A_107 = arith.constant 16 : i32
        %mul3A_108 = arith.muli %scan3A_100, %mul3A_107 : i32
        %add3A_109 = arith.addi %mul3A_93, %mul3A_108 : i32
        %swap3A = arith.index_cast %add3A_109 : i32 to index
        %swap3A_110 = tpu.vector_load %arg16[%swap3A] {strides = array<i32>} : memref<100000xf32, #tpu.memory_space<vmem>>, vector<16xf32>,
        tpu.vector_store %arg16[%swap3A], %add3A_106 {strides = array<i32>} : memref<100000xf32, #tpu.memory_space<vmem>>, vector<16xf32>,
      }
      %scan3A_99 = arith.constant 125 : i32
    }
    %scan3A_16 = arith.constant 25 : i32
    %scan3A_17 = arith.constant 0 : i32
    %scan3A_18 = arith.constant 0 : i32
    %scan3A_19 = arith.constant 98 : i32
    %scan3A_20 = arith.addi %scan3A_18, %scan3A_19 : i32
    %scan3A_21 = arith.constant 1 : i32
    scf.for %scan3A_49 = %scan3A_18 to %scan3A_20 step %scan3A_21  : i32 {
      %broadcast_in_dim3A = arith.constant 0.000000e+00 : f32
      %broadcast_in_dim3A_50 = vector.broadcast %broadcast_in_dim3A : f32 to vector<16xf32>
      %mul3A_51 = arith.constant 16 : i32
      %mul3A_52 = arith.muli %scan3A_49, %mul3A_51 : i32
      %swap3A = arith.index_cast %mul3A_52 : i32 to index
      %swap3A_53 = tpu.vector_load %arg11[%swap3A] {strides = array<i32>} : memref<2000xf32, #tpu.memory_space<vmem>>, vector<16xf32>,
      tpu.vector_store %arg11[%swap3A], %broadcast_in_dim3A_50 {strides = array<i32>} : memref<2000xf32, #tpu.memory_space<vmem>>, vector<16xf32>,
    }
    %scan3A_22 = arith.constant 98 : i32
    %scan3A_23 = arith.constant 0 : i32
    %scan3A_24 = arith.constant 0 : i32
    %scan3A_25 = arith.constant 4 : i32
    %scan3A_26 = arith.addi %scan3A_24, %scan3A_25 : i32
    %scan3A_27 = arith.constant 1 : i32
    scf.for %scan3A_49 = %scan3A_24 to %scan3A_26 step %scan3A_27  : i32 {
      %mul3A_50 = arith.constant 1568 : i32
      %mul3A_51 = arith.muli %scan3A_49, %mul3A_50 : i32
      %add3A_52 = arith.addi %mul3A_4, %mul3A_51 : i32
      "tpu.region"() ({
        %run_scoped3A = tpu.sem_alloc : memref<!tpu.dma_semaphore, #tpu.memory_space<semaphore_mem>>
        %dma_start3A_53 = arith.constant 0 : i32
        %dma_start3A_54 = tpu.memref_slice %arg11[%dma_start3A_53] : memref<2000xf32, #tpu.memory_space<vmem>> -> memref<1568xf32, #tpu.memory_space<vmem>>
        %dma_start3A_55 = tpu.memref_slice %arg22[%add3A_52] : memref<100352xf32, #tpu.memory_space<vmem_shared>> -> memref<1568xf32, #tpu.memory_space<vmem_shared>>
        %dma_start3A_56 = tpu.memref_slice %arg22[%add3A_52] : memref<100352xf32, #tpu.memory_space<vmem_shared>> -> memref<1568xf32, #tpu.memory_space<vmem_shared>>
        %dma_start3A_57 = arith.constant 0 : i32
        %dma_start3A_58 = tpu.memref_slice %arg11[%dma_start3A_57] : memref<2000xf32, #tpu.memory_space<vmem>> -> memref<1568xf32, #tpu.memory_space<vmem>>
        tpu.enqueue_dma source(%dma_start3A_58 : memref<1568xf32, #tpu.memory_space<vmem>>) target(%dma_start3A_56 : memref<1568xf32, #tpu.memory_space<vmem_shared>>) target_semaphore(%run_scoped3A : memref<!tpu.dma_semaphore, #tpu.memory_space<semaphore_mem>>)
        %dma_wait3A_59 = arith.constant 0 : i32
        %dma_wait3A_60 = tpu.memref_slice %arg11[%dma_wait3A_59] : memref<2000xf32, #tpu.memory_space<vmem>> -> memref<1568xf32, #tpu.memory_space<vmem>>
        %dma_wait3A_61 = tpu.memref_slice %arg22[%add3A_52] : memref<100352xf32, #tpu.memory_space<vmem_shared>> -> memref<1568xf32, #tpu.memory_space<vmem_shared>>
        %dma_wait3A_62 = tpu.memref_slice %arg22[%add3A_52] : memref<100352xf32, #tpu.memory_space<vmem_shared>> -> memref<1568xf32, #tpu.memory_space<vmem_shared>>
        %dma_wait3A_63 = arith.constant 0 : i32
        %dma_wait3A_64 = tpu.memref_slice %arg11[%dma_wait3A_63] : memref<2000xf32, #tpu.memory_space<vmem>> -> memref<1568xf32, #tpu.memory_space<vmem>>
        tpu.wait_dma2 semaphore(%run_scoped3A : memref<!tpu.dma_semaphore, #tpu.memory_space<semaphore_mem>>) src(%dma_wait3A_64 : memref<1568xf32, #tpu.memory_space<vmem>>) dst(%dma_wait3A_62 : memref<1568xf32, #tpu.memory_space<vmem_shared>>)
        tpu.yield
      }) : () -> ()
    }
    %scan3A_28 = arith.constant 4 : i32
    %barrier3A = arith.constant 0 : index
    tpu.barrier barrier_id(%barrier3A)
    %dma_start3A_29 = tpu.memref_slice %arg2[%add3A] : memref<3200000xi32, #tpu.memory_space<hbm>> -> memref<2000xi32, #tpu.memory_space<hbm>>
    %dma_start3A_30 = tpu.memref_slice %arg2[%add3A] : memref<3200000xi32, #tpu.memory_space<hbm>> -> memref<2000xi32, #tpu.memory_space<hbm>>
    tpu.enqueue_dma source(%dma_start3A_30 : memref<2000xi32, #tpu.memory_space<hbm>>) target(%arg8 : memref<2000xi32, #tpu.memory_space<vmem>>) target_semaphore(%arg18 : memref<!tpu.dma_semaphore, #tpu.memory_space<semaphore_mem>>)
    %dma_start3A_31 = tpu.memref_slice %arg3[%add3A] : memref<3200000xi32, #tpu.memory_space<hbm>> -> memref<2000xi32, #tpu.memory_space<hbm>>
    %dma_start3A_32 = tpu.memref_slice %arg3[%add3A] : memref<3200000xi32, #tpu.memory_space<hbm>> -> memref<2000xi32, #tpu.memory_space<hbm>>
    tpu.enqueue_dma source(%dma_start3A_32 : memref<2000xi32, #tpu.memory_space<hbm>>) target(%arg9 : memref<2000xi32, #tpu.memory_space<vmem>>) target_semaphore(%arg18 : memref<!tpu.dma_semaphore, #tpu.memory_space<semaphore_mem>>)
    %dma_start3A_33 = tpu.memref_slice %arg4[%add3A] : memref<3200000xf32, #tpu.memory_space<hbm>> -> memref<2000xf32, #tpu.memory_space<hbm>>
    %dma_start3A_34 = tpu.memref_slice %arg4[%add3A] : memref<3200000xf32, #tpu.memory_space<hbm>> -> memref<2000xf32, #tpu.memory_space<hbm>>
    tpu.enqueue_dma source(%dma_start3A_34 : memref<2000xf32, #tpu.memory_space<hbm>>) target(%arg10 : memref<2000xf32, #tpu.memory_space<vmem>>) target_semaphore(%arg18 : memref<!tpu.dma_semaphore, #tpu.memory_space<semaphore_mem>>)
    %scan3A_35 = arith.constant 0 : i32
    %scan3A_36 = arith.constant 0 : i32
    %scan3A_37 = arith.constant 25 : i32
    %scan3A_38 = arith.addi %scan3A_36, %scan3A_37 : i32
    %scan3A_39 = arith.constant 1 : i32
    scf.for %scan3A_49 = %scan3A_36 to %scan3A_38 step %scan3A_39  : i32 {
      %mul3A_50 = arith.constant 2 : i32
      %mul3A_51 = arith.muli %mul3A_50, %scan3A_49 : i32
      %mul3A_52 = arith.constant 2 : i32
      %mul3A_53 = arith.muli %mul3A_52, %scan3A_49 : i32
      %add3A_54 = arith.constant 1 : i32
      %add3A_55 = arith.addi %mul3A_53, %add3A_54 : i32
      %mul3A_56 = arith.constant 2000 : i32
      %mul3A_57 = arith.muli %mul3A_51, %mul3A_56 : i32
      %add3A_58 = arith.addi %add3A, %mul3A_57 : i32
      %mul3A_59 = arith.constant 2000 : i32
      %mul3A_60 = arith.muli %add3A_55, %mul3A_59 : i32
      %add3A_61 = arith.addi %add3A, %mul3A_60 : i32
      %dma_wait3A_62 = tpu.memref_slice %arg2[%add3A_58] : memref<3200000xi32, #tpu.memory_space<hbm>> -> memref<2000xi32, #tpu.memory_space<hbm>>
      %dma_wait3A_63 = tpu.memref_slice %arg2[%add3A_58] : memref<3200000xi32, #tpu.memory_space<hbm>> -> memref<2000xi32, #tpu.memory_space<hbm>>
      tpu.wait_dma2 semaphore(%arg18 : memref<!tpu.dma_semaphore, #tpu.memory_space<semaphore_mem>>) src(%dma_wait3A_63 : memref<2000xi32, #tpu.memory_space<hbm>>) dst(%arg8 : memref<2000xi32, #tpu.memory_space<vmem>>)
      %dma_wait3A_64 = tpu.memref_slice %arg3[%add3A_58] : memref<3200000xi32, #tpu.memory_space<hbm>> -> memref<2000xi32, #tpu.memory_space<hbm>>
      %dma_wait3A_65 = tpu.memref_slice %arg3[%add3A_58] : memref<3200000xi32, #tpu.memory_space<hbm>> -> memref<2000xi32, #tpu.memory_space<hbm>>
      tpu.wait_dma2 semaphore(%arg18 : memref<!tpu.dma_semaphore, #tpu.memory_space<semaphore_mem>>) src(%dma_wait3A_65 : memref<2000xi32, #tpu.memory_space<hbm>>) dst(%arg9 : memref<2000xi32, #tpu.memory_space<vmem>>)
      %dma_wait3A_66 = tpu.memref_slice %arg4[%add3A_58] : memref<3200000xf32, #tpu.memory_space<hbm>> -> memref<2000xf32, #tpu.memory_space<hbm>>
      %dma_wait3A_67 = tpu.memref_slice %arg4[%add3A_58] : memref<3200000xf32, #tpu.memory_space<hbm>> -> memref<2000xf32, #tpu.memory_space<hbm>>
      tpu.wait_dma2 semaphore(%arg18 : memref<!tpu.dma_semaphore, #tpu.memory_space<semaphore_mem>>) src(%dma_wait3A_67 : memref<2000xf32, #tpu.memory_space<hbm>>) dst(%arg10 : memref<2000xf32, #tpu.memory_space<vmem>>)
      %gt3A = arith.constant 0 : i32
      %gt3A_68 = arith.cmpi sgt, %scan3A_49, %gt3A : i32
      %convert_element_type3A = arith.extui %gt3A_68 : i1 to i32
      %cond3A = arith.constant 0 : i32
      %cond3A_69 = arith.cmpi ne, %convert_element_type3A, %cond3A : i32
      scf.if %cond3A_69 {
        %dma_wait3A_106 = arith.constant 0 : i32
        %dma_wait3A_107 = tpu.memref_slice %arg22[%dma_wait3A_106] : memref<100352xf32, #tpu.memory_space<vmem_shared>> -> memref<100352xf32, #tpu.memory_space<vmem_shared>>
        tpu.wait_indirect_dma semaphore(%arg21 : memref<!tpu.dma_semaphore, #tpu.memory_space<semaphore_mem>>) src(%arg15 : memref<2000xf32, #tpu.memory_space<vmem>>) dst(%dma_wait3A_107 : memref<100352xf32, #tpu.memory_space<vmem_shared>>)
      } else {
      }
      %dma_start3A_70 = tpu.memref_slice %arg2[%add3A_61] : memref<3200000xi32, #tpu.memory_space<hbm>> -> memref<2000xi32, #tpu.memory_space<hbm>>
      %dma_start3A_71 = tpu.memref_slice %arg2[%add3A_61] : memref<3200000xi32, #tpu.memory_space<hbm>> -> memref<2000xi32, #tpu.memory_space<hbm>>
      tpu.enqueue_dma source(%dma_start3A_71 : memref<2000xi32, #tpu.memory_space<hbm>>) target(%arg12 : memref<2000xi32, #tpu.memory_space<vmem>>) target_semaphore(%arg19 : memref<!tpu.dma_semaphore, #tpu.memory_space<semaphore_mem>>)
      %dma_start3A_72 = tpu.memref_slice %arg3[%add3A_61] : memref<3200000xi32, #tpu.memory_space<hbm>> -> memref<2000xi32, #tpu.memory_space<hbm>>
      %dma_start3A_73 = tpu.memref_slice %arg3[%add3A_61] : memref<3200000xi32, #tpu.memory_space<hbm>> -> memref<2000xi32, #tpu.memory_space<hbm>>
      tpu.enqueue_dma source(%dma_start3A_73 : memref<2000xi32, #tpu.memory_space<hbm>>) target(%arg13 : memref<2000xi32, #tpu.memory_space<vmem>>) target_semaphore(%arg19 : memref<!tpu.dma_semaphore, #tpu.memory_space<semaphore_mem>>)
      %dma_start3A_74 = tpu.memref_slice %arg4[%add3A_61] : memref<3200000xf32, #tpu.memory_space<hbm>> -> memref<2000xf32, #tpu.memory_space<hbm>>
      %dma_start3A_75 = tpu.memref_slice %arg4[%add3A_61] : memref<3200000xf32, #tpu.memory_space<hbm>> -> memref<2000xf32, #tpu.memory_space<hbm>>
      tpu.enqueue_dma source(%dma_start3A_75 : memref<2000xf32, #tpu.memory_space<hbm>>) target(%arg14 : memref<2000xf32, #tpu.memory_space<vmem>>) target_semaphore(%arg19 : memref<!tpu.dma_semaphore, #tpu.memory_space<semaphore_mem>>)
      %scan3A_76 = arith.constant 0 : i32
      %scan3A_77 = arith.constant 0 : i32
      %scan3A_78 = arith.constant 125 : i32
      %scan3A_79 = arith.addi %scan3A_77, %scan3A_78 : i32
      %scan3A_80 = arith.constant 1 : i32
      scf.for %scan3A_106 = %scan3A_77 to %scan3A_79 step %scan3A_80  : i32 {
        %mul3A_107 = arith.constant 16 : i32
        %mul3A_108 = arith.muli %scan3A_106, %mul3A_107 : i32
        %get3A = arith.index_cast %mul3A_108 : i32 to index
        %get3A_109 = tpu.vector_load %arg9[%get3A] {strides = array<i32>} : memref<2000xi32, #tpu.memory_space<vmem>>, vector<16xi32>,
        %gather3A = tpu.vector_load_idx %arg16[%get3A_109] : memref<100000xf32, #tpu.memory_space<vmem>>[vector<16xi32>], vector<16xf32>,
        %get3A_110 = arith.index_cast %mul3A_108 : i32 to index
        %get3A_111 = tpu.vector_load %arg10[%get3A_110] {strides = array<i32>} : memref<2000xf32, #tpu.memory_space<vmem>>, vector<16xf32>,
        %mul3A_112 = arith.mulf %get3A_111, %gather3A : vector<16xf32>
        %swap3A = arith.index_cast %mul3A_108 : i32 to index
        %swap3A_113 = tpu.vector_load %arg11[%swap3A] {strides = array<i32>} : memref<2000xf32, #tpu.memory_space<vmem>>, vector<16xf32>,
        tpu.vector_store %arg11[%swap3A], %mul3A_112 {strides = array<i32>} : memref<2000xf32, #tpu.memory_space<vmem>>, vector<16xf32>,
      }
      %scan3A_81 = arith.constant 125 : i32
      %dma_start3A_82 = arith.constant 0 : i32
      %dma_start3A_83 = tpu.memref_slice %arg22[%dma_start3A_82] : memref<100352xf32, #tpu.memory_space<vmem_shared>> -> memref<100352xf32, #tpu.memory_space<vmem_shared>>
      tpu.enqueue_indirect_dma source(%arg11 : memref<2000xf32, #tpu.memory_space<vmem>>) target(%dma_start3A_83 : memref<100352xf32, #tpu.memory_space<vmem_shared>>) offsets(%arg8 : memref<2000xi32, #tpu.memory_space<vmem>>) semaphore(%arg20 : memref<!tpu.dma_semaphore, #tpu.memory_space<semaphore_mem>>) {add = true}
      %dma_wait3A_84 = tpu.memref_slice %arg2[%add3A_61] : memref<3200000xi32, #tpu.memory_space<hbm>> -> memref<2000xi32, #tpu.memory_space<hbm>>
      %dma_wait3A_85 = tpu.memref_slice %arg2[%add3A_61] : memref<3200000xi32, #tpu.memory_space<hbm>> -> memref<2000xi32, #tpu.memory_space<hbm>>
      tpu.wait_dma2 semaphore(%arg19 : memref<!tpu.dma_semaphore, #tpu.memory_space<semaphore_mem>>) src(%dma_wait3A_85 : memref<2000xi32, #tpu.memory_space<hbm>>) dst(%arg12 : memref<2000xi32, #tpu.memory_space<vmem>>)
      %dma_wait3A_86 = tpu.memref_slice %arg3[%add3A_61] : memref<3200000xi32, #tpu.memory_space<hbm>> -> memref<2000xi32, #tpu.memory_space<hbm>>
      %dma_wait3A_87 = tpu.memref_slice %arg3[%add3A_61] : memref<3200000xi32, #tpu.memory_space<hbm>> -> memref<2000xi32, #tpu.memory_space<hbm>>
      tpu.wait_dma2 semaphore(%arg19 : memref<!tpu.dma_semaphore, #tpu.memory_space<semaphore_mem>>) src(%dma_wait3A_87 : memref<2000xi32, #tpu.memory_space<hbm>>) dst(%arg13 : memref<2000xi32, #tpu.memory_space<vmem>>)
      %dma_wait3A_88 = tpu.memref_slice %arg4[%add3A_61] : memref<3200000xf32, #tpu.memory_space<hbm>> -> memref<2000xf32, #tpu.memory_space<hbm>>
      %dma_wait3A_89 = tpu.memref_slice %arg4[%add3A_61] : memref<3200000xf32, #tpu.memory_space<hbm>> -> memref<2000xf32, #tpu.memory_space<hbm>>
      tpu.wait_dma2 semaphore(%arg19 : memref<!tpu.dma_semaphore, #tpu.memory_space<semaphore_mem>>) src(%dma_wait3A_89 : memref<2000xf32, #tpu.memory_space<hbm>>) dst(%arg14 : memref<2000xf32, #tpu.memory_space<vmem>>)
      %dma_wait3A_90 = arith.constant 0 : i32
      %dma_wait3A_91 = tpu.memref_slice %arg22[%dma_wait3A_90] : memref<100352xf32, #tpu.memory_space<vmem_shared>> -> memref<100352xf32, #tpu.memory_space<vmem_shared>>
      tpu.wait_indirect_dma semaphore(%arg20 : memref<!tpu.dma_semaphore, #tpu.memory_space<semaphore_mem>>) src(%arg11 : memref<2000xf32, #tpu.memory_space<vmem>>) dst(%dma_wait3A_91 : memref<100352xf32, #tpu.memory_space<vmem_shared>>)
      %add3A_92 = arith.constant 1 : i32
      %add3A_93 = arith.addi %add3A_55, %add3A_92 : i32
      %lt3A = arith.constant 50 : i32
      %lt3A_94 = arith.cmpi slt, %add3A_93, %lt3A : i32
      %convert_element_type3A_95 = arith.extui %lt3A_94 : i1 to i32
      %cond3A_96 = arith.constant 0 : i32
      %cond3A_97 = arith.cmpi ne, %convert_element_type3A_95, %cond3A_96 : i32
      scf.if %cond3A_97 {
        %add3A_106 = arith.constant 1 : i32
        %add3A_107 = arith.addi %add3A_55, %add3A_106 : i32
        %mul3A_108 = arith.constant 2000 : i32
        %mul3A_109 = arith.muli %add3A_107, %mul3A_108 : i32
        %add3A_110 = arith.addi %add3A, %mul3A_109 : i32
        %dma_start3A_111 = tpu.memref_slice %arg2[%add3A_110] : memref<3200000xi32, #tpu.memory_space<hbm>> -> memref<2000xi32, #tpu.memory_space<hbm>>
        %dma_start3A_112 = tpu.memref_slice %arg2[%add3A_110] : memref<3200000xi32, #tpu.memory_space<hbm>> -> memref<2000xi32, #tpu.memory_space<hbm>>
        tpu.enqueue_dma source(%dma_start3A_112 : memref<2000xi32, #tpu.memory_space<hbm>>) target(%arg8 : memref<2000xi32, #tpu.memory_space<vmem>>) target_semaphore(%arg18 : memref<!tpu.dma_semaphore, #tpu.memory_space<semaphore_mem>>)
        %dma_start3A_113 = tpu.memref_slice %arg3[%add3A_110] : memref<3200000xi32, #tpu.memory_space<hbm>> -> memref<2000xi32, #tpu.memory_space<hbm>>
        %dma_start3A_114 = tpu.memref_slice %arg3[%add3A_110] : memref<3200000xi32, #tpu.memory_space<hbm>> -> memref<2000xi32, #tpu.memory_space<hbm>>
        tpu.enqueue_dma source(%dma_start3A_114 : memref<2000xi32, #tpu.memory_space<hbm>>) target(%arg9 : memref<2000xi32, #tpu.memory_space<vmem>>) target_semaphore(%arg18 : memref<!tpu.dma_semaphore, #tpu.memory_space<semaphore_mem>>)
        %dma_start3A_115 = tpu.memref_slice %arg4[%add3A_110] : memref<3200000xf32, #tpu.memory_space<hbm>> -> memref<2000xf32, #tpu.memory_space<hbm>>
        %dma_start3A_116 = tpu.memref_slice %arg4[%add3A_110] : memref<3200000xf32, #tpu.memory_space<hbm>> -> memref<2000xf32, #tpu.memory_space<hbm>>
        tpu.enqueue_dma source(%dma_start3A_116 : memref<2000xf32, #tpu.memory_space<hbm>>) target(%arg10 : memref<2000xf32, #tpu.memory_space<vmem>>) target_semaphore(%arg18 : memref<!tpu.dma_semaphore, #tpu.memory_space<semaphore_mem>>)
      } else {
      }
      %scan3A_98 = arith.constant 0 : i32
      %scan3A_99 = arith.constant 0 : i32
      %scan3A_100 = arith.constant 125 : i32
      %scan3A_101 = arith.addi %scan3A_99, %scan3A_100 : i32
      %scan3A_102 = arith.constant 1 : i32
      scf.for %scan3A_106 = %scan3A_99 to %scan3A_101 step %scan3A_102  : i32 {
        %mul3A_107 = arith.constant 16 : i32
        %mul3A_108 = arith.muli %scan3A_106, %mul3A_107 : i32
        %get3A = arith.index_cast %mul3A_108 : i32 to index
        %get3A_109 = tpu.vector_load %arg13[%get3A] {strides = array<i32>} : memref<2000xi32, #tpu.memory_space<vmem>>, vector<16xi32>,
        %gather3A = tpu.vector_load_idx %arg16[%get3A_109] : memref<100000xf32, #tpu.memory_space<vmem>>[vector<16xi32>], vector<16xf32>,
        %get3A_110 = arith.index_cast %mul3A_108 : i32 to index
        %get3A_111 = tpu.vector_load %arg14[%get3A_110] {strides = array<i32>} : memref<2000xf32, #tpu.memory_space<vmem>>, vector<16xf32>,
        %mul3A_112 = arith.mulf %get3A_111, %gather3A : vector<16xf32>
        %swap3A = arith.index_cast %mul3A_108 : i32 to index
        %swap3A_113 = tpu.vector_load %arg15[%swap3A] {strides = array<i32>} : memref<2000xf32, #tpu.memory_space<vmem>>, vector<16xf32>,
        tpu.vector_store %arg15[%swap3A], %mul3A_112 {strides = array<i32>} : memref<2000xf32, #tpu.memory_space<vmem>>, vector<16xf32>,
      }
      %scan3A_103 = arith.constant 125 : i32
      %dma_start3A_104 = arith.constant 0 : i32
      %dma_start3A_105 = tpu.memref_slice %arg22[%dma_start3A_104] : memref<100352xf32, #tpu.memory_space<vmem_shared>> -> memref<100352xf32, #tpu.memory_space<vmem_shared>>
      tpu.enqueue_indirect_dma source(%arg15 : memref<2000xf32, #tpu.memory_space<vmem>>) target(%dma_start3A_105 : memref<100352xf32, #tpu.memory_space<vmem_shared>>) offsets(%arg12 : memref<2000xi32, #tpu.memory_space<vmem>>) semaphore(%arg21 : memref<!tpu.dma_semaphore, #tpu.memory_space<semaphore_mem>>) {add = true}
    }
    %scan3A_40 = arith.constant 25 : i32
    %dma_wait3A = arith.constant 0 : i32
    %dma_wait3A_41 = tpu.memref_slice %arg22[%dma_wait3A] : memref<100352xf32, #tpu.memory_space<vmem_shared>> -> memref<100352xf32, #tpu.memory_space<vmem_shared>>
    tpu.wait_indirect_dma semaphore(%arg21 : memref<!tpu.dma_semaphore, #tpu.memory_space<semaphore_mem>>) src(%arg15 : memref<2000xf32, #tpu.memory_space<vmem>>) dst(%dma_wait3A_41 : memref<100352xf32, #tpu.memory_space<vmem_shared>>)
    %barrier3A_42 = arith.constant 0 : index
    tpu.barrier barrier_id(%barrier3A_42)
    %scan3A_43 = arith.constant 0 : i32
    %scan3A_44 = arith.constant 0 : i32
    %scan3A_45 = arith.constant 4 : i32
    %scan3A_46 = arith.addi %scan3A_44, %scan3A_45 : i32
    %scan3A_47 = arith.constant 1 : i32
    scf.for %scan3A_49 = %scan3A_44 to %scan3A_46 step %scan3A_47  : i32 {
      %mul3A_50 = arith.constant 1568 : i32
      %mul3A_51 = arith.muli %scan3A_49, %mul3A_50 : i32
      %add3A_52 = arith.addi %mul3A_4, %mul3A_51 : i32
      %mul3A_53 = arith.constant 100352 : i32
      %mul3A_54 = arith.muli %arg0, %mul3A_53 : i32
      %add3A_55 = arith.addi %mul3A_54, %mul3A_4 : i32
      %mul3A_56 = arith.constant 1568 : i32
      %mul3A_57 = arith.muli %scan3A_49, %mul3A_56 : i32
      %add3A_58 = arith.addi %add3A_55, %mul3A_57 : i32
      "tpu.region"() ({
        %run_scoped3A = tpu.sem_alloc : memref<!tpu.dma_semaphore, #tpu.memory_space<semaphore_mem>>
        %dma_start3A_68 = arith.constant 0 : i32
        %dma_start3A_69 = tpu.memref_slice %arg11[%dma_start3A_68] : memref<2000xf32, #tpu.memory_space<vmem>> -> memref<1568xf32, #tpu.memory_space<vmem>>
        %dma_start3A_70 = tpu.memref_slice %arg22[%add3A_52] : memref<100352xf32, #tpu.memory_space<vmem_shared>> -> memref<1568xf32, #tpu.memory_space<vmem_shared>>
        %dma_start3A_71 = arith.constant 0 : i32
        %dma_start3A_72 = tpu.memref_slice %arg11[%dma_start3A_71] : memref<2000xf32, #tpu.memory_space<vmem>> -> memref<1568xf32, #tpu.memory_space<vmem>>
        %dma_start3A_73 = tpu.memref_slice %arg22[%add3A_52] : memref<100352xf32, #tpu.memory_space<vmem_shared>> -> memref<1568xf32, #tpu.memory_space<vmem_shared>>
        tpu.enqueue_dma source(%dma_start3A_73 : memref<1568xf32, #tpu.memory_space<vmem_shared>>) target(%dma_start3A_72 : memref<1568xf32, #tpu.memory_space<vmem>>) target_semaphore(%run_scoped3A : memref<!tpu.dma_semaphore, #tpu.memory_space<semaphore_mem>>)
        %dma_wait3A_74 = arith.constant 0 : i32
        %dma_wait3A_75 = tpu.memref_slice %arg11[%dma_wait3A_74] : memref<2000xf32, #tpu.memory_space<vmem>> -> memref<1568xf32, #tpu.memory_space<vmem>>
        %dma_wait3A_76 = tpu.memref_slice %arg22[%add3A_52] : memref<100352xf32, #tpu.memory_space<vmem_shared>> -> memref<1568xf32, #tpu.memory_space<vmem_shared>>
        %dma_wait3A_77 = arith.constant 0 : i32
        %dma_wait3A_78 = tpu.memref_slice %arg11[%dma_wait3A_77] : memref<2000xf32, #tpu.memory_space<vmem>> -> memref<1568xf32, #tpu.memory_space<vmem>>
        %dma_wait3A_79 = tpu.memref_slice %arg22[%add3A_52] : memref<100352xf32, #tpu.memory_space<vmem_shared>> -> memref<1568xf32, #tpu.memory_space<vmem_shared>>
        tpu.wait_dma2 semaphore(%run_scoped3A : memref<!tpu.dma_semaphore, #tpu.memory_space<semaphore_mem>>) src(%dma_wait3A_79 : memref<1568xf32, #tpu.memory_space<vmem_shared>>) dst(%dma_wait3A_78 : memref<1568xf32, #tpu.memory_space<vmem>>)
        tpu.yield
      }) : () -> ()
      %mul3A_59 = arith.constant 1568 : i32
      %mul3A_60 = arith.muli %scan3A_49, %mul3A_59 : i32
      %add3A_61 = arith.addi %mul3A_4, %mul3A_60 : i32
      "tpu.region"() ({
        %run_scoped3A = tpu.sem_alloc : memref<!tpu.dma_semaphore, #tpu.memory_space<semaphore_mem>>
        %dma_start3A_68 = arith.constant 0 : i32
        %dma_start3A_69 = tpu.memref_slice %arg14[%dma_start3A_68] : memref<2000xf32, #tpu.memory_space<vmem>> -> memref<1568xf32, #tpu.memory_space<vmem>>
        %dma_start3A_70 = tpu.memref_slice %arg5[%add3A_61] : memref<100352xf32, #tpu.memory_space<hbm>> -> memref<1568xf32, #tpu.memory_space<hbm>>
        %dma_start3A_71 = arith.constant 0 : i32
        %dma_start3A_72 = tpu.memref_slice %arg14[%dma_start3A_71] : memref<2000xf32, #tpu.memory_space<vmem>> -> memref<1568xf32, #tpu.memory_space<vmem>>
        %dma_start3A_73 = tpu.memref_slice %arg5[%add3A_61] : memref<100352xf32, #tpu.memory_space<hbm>> -> memref<1568xf32, #tpu.memory_space<hbm>>
        tpu.enqueue_dma source(%dma_start3A_73 : memref<1568xf32, #tpu.memory_space<hbm>>) target(%dma_start3A_72 : memref<1568xf32, #tpu.memory_space<vmem>>) target_semaphore(%run_scoped3A : memref<!tpu.dma_semaphore, #tpu.memory_space<semaphore_mem>>)
        %dma_wait3A_74 = arith.constant 0 : i32
        %dma_wait3A_75 = tpu.memref_slice %arg14[%dma_wait3A_74] : memref<2000xf32, #tpu.memory_space<vmem>> -> memref<1568xf32, #tpu.memory_space<vmem>>
        %dma_wait3A_76 = tpu.memref_slice %arg5[%add3A_61] : memref<100352xf32, #tpu.memory_space<hbm>> -> memref<1568xf32, #tpu.memory_space<hbm>>
        %dma_wait3A_77 = arith.constant 0 : i32
        %dma_wait3A_78 = tpu.memref_slice %arg14[%dma_wait3A_77] : memref<2000xf32, #tpu.memory_space<vmem>> -> memref<1568xf32, #tpu.memory_space<vmem>>
        %dma_wait3A_79 = tpu.memref_slice %arg5[%add3A_61] : memref<100352xf32, #tpu.memory_space<hbm>> -> memref<1568xf32, #tpu.memory_space<hbm>>
        tpu.wait_dma2 semaphore(%run_scoped3A : memref<!tpu.dma_semaphore, #tpu.memory_space<semaphore_mem>>) src(%dma_wait3A_79 : memref<1568xf32, #tpu.memory_space<hbm>>) dst(%dma_wait3A_78 : memref<1568xf32, #tpu.memory_space<vmem>>)
        tpu.yield
      }) : () -> ()
      %scan3A_62 = arith.constant 0 : i32
      %scan3A_63 = arith.constant 0 : i32
      %scan3A_64 = arith.constant 98 : i32
      %scan3A_65 = arith.addi %scan3A_63, %scan3A_64 : i32
      %scan3A_66 = arith.constant 1 : i32
      scf.for %scan3A_68 = %scan3A_63 to %scan3A_65 step %scan3A_66  : i32 {
        %mul3A_69 = arith.constant 16 : i32
        %mul3A_70 = arith.muli %scan3A_68, %mul3A_69 : i32
        %get3A = arith.index_cast %mul3A_70 : i32 to index
        %get3A_71 = tpu.vector_load %arg14[%get3A] {strides = array<i32>} : memref<2000xf32, #tpu.memory_space<vmem>>, vector<16xf32>,
        %mul3A_72 = arith.constant 5.000000e-01 : f32
        %mul3A_73 = vector.broadcast %mul3A_72 : f32 to vector<16xf32>
        %mul3A_74 = arith.mulf %get3A_71, %mul3A_73 : vector<16xf32>
        %sub3A = arith.constant 1.000000e+00 : f32
        %sub3A_75 = vector.broadcast %sub3A : f32 to vector<16xf32>
        %sub3A_76 = arith.subf %sub3A_75, %get3A_71 : vector<16xf32>
        %get3A_77 = arith.index_cast %mul3A_70 : i32 to index
        %get3A_78 = tpu.vector_load %arg11[%get3A_77] {strides = array<i32>} : memref<2000xf32, #tpu.memory_space<vmem>>, vector<16xf32>,
        %mul3A_79 = arith.mulf %sub3A_76, %get3A_78 : vector<16xf32>
        %add3A_80 = arith.addf %mul3A_74, %mul3A_79 : vector<16xf32>
        %swap3A = arith.index_cast %mul3A_70 : i32 to index
        %swap3A_81 = tpu.vector_load %arg11[%swap3A] {strides = array<i32>} : memref<2000xf32, #tpu.memory_space<vmem>>, vector<16xf32>,
        tpu.vector_store %arg11[%swap3A], %add3A_80 {strides = array<i32>} : memref<2000xf32, #tpu.memory_space<vmem>>, vector<16xf32>,
      }
      %scan3A_67 = arith.constant 98 : i32
      "tpu.region"() ({
        %run_scoped3A = tpu.sem_alloc : memref<!tpu.dma_semaphore, #tpu.memory_space<semaphore_mem>>
        %dma_start3A_68 = arith.constant 0 : i32
        %dma_start3A_69 = tpu.memref_slice %arg11[%dma_start3A_68] : memref<2000xf32, #tpu.memory_space<vmem>> -> memref<1568xf32, #tpu.memory_space<vmem>>
        %dma_start3A_70 = tpu.memref_slice %arg7[%add3A_58] : memref<200704xf32, #tpu.memory_space<hbm>> -> memref<1568xf32, #tpu.memory_space<hbm>>
        %dma_start3A_71 = tpu.memref_slice %arg7[%add3A_58] : memref<200704xf32, #tpu.memory_space<hbm>> -> memref<1568xf32, #tpu.memory_space<hbm>>
        %dma_start3A_72 = arith.constant 0 : i32
        %dma_start3A_73 = tpu.memref_slice %arg11[%dma_start3A_72] : memref<2000xf32, #tpu.memory_space<vmem>> -> memref<1568xf32, #tpu.memory_space<vmem>>
        tpu.enqueue_dma source(%dma_start3A_73 : memref<1568xf32, #tpu.memory_space<vmem>>) target(%dma_start3A_71 : memref<1568xf32, #tpu.memory_space<hbm>>) target_semaphore(%run_scoped3A : memref<!tpu.dma_semaphore, #tpu.memory_space<semaphore_mem>>)
        %dma_wait3A_74 = arith.constant 0 : i32
        %dma_wait3A_75 = tpu.memref_slice %arg11[%dma_wait3A_74] : memref<2000xf32, #tpu.memory_space<vmem>> -> memref<1568xf32, #tpu.memory_space<vmem>>
        %dma_wait3A_76 = tpu.memref_slice %arg7[%add3A_58] : memref<200704xf32, #tpu.memory_space<hbm>> -> memref<1568xf32, #tpu.memory_space<hbm>>
        %dma_wait3A_77 = tpu.memref_slice %arg7[%add3A_58] : memref<200704xf32, #tpu.memory_space<hbm>> -> memref<1568xf32, #tpu.memory_space<hbm>>
        %dma_wait3A_78 = arith.constant 0 : i32
        %dma_wait3A_79 = tpu.memref_slice %arg11[%dma_wait3A_78] : memref<2000xf32, #tpu.memory_space<vmem>> -> memref<1568xf32, #tpu.memory_space<vmem>>
        tpu.wait_dma2 semaphore(%run_scoped3A : memref<!tpu.dma_semaphore, #tpu.memory_space<semaphore_mem>>) src(%dma_wait3A_79 : memref<1568xf32, #tpu.memory_space<vmem>>) dst(%dma_wait3A_77 : memref<1568xf32, #tpu.memory_space<hbm>>)
        tpu.yield
      }) : () -> ()
    }
    %scan3A_48 = arith.constant 4 : i32
    return
  }
}

module attributes {stable_mosaic.version = 14 : i64} {
  func.func @_encoder_body(%arg0: i32, %arg1: memref<200x2048xf32, #tpu.memory_space<vmem>>, %arg2: memref<2048x128xf32, #tpu.memory_space<vmem>>, %arg3: memref<1x1xf32, #tpu.memory_space<vmem>>, %arg4: memref<2x25600xi32, #tpu.memory_space<vmem>>, %arg5: memref<25600xf32, #tpu.memory_space<vmem>>, %arg6: memref<25600xf32, #tpu.memory_space<vmem>>, %arg7: memref<25600xi32, #tpu.memory_space<vmem>>, %arg8: memref<25600xi32, #tpu.memory_space<vmem>>) attributes {dimension_semantics = [#tpu.dimension_semantics<arbitrary>], iteration_bounds = array<i64: 125>, scalar_prefetch = 0 : i64, scratch_operands = 0 : i64, tpu.core_type = #tpu.core_type<tc>, window_params = [{transform_indices = @transform_0, window_bounds = array<i64: 200, 2048>}, {pipeline_mode = #tpu.pipeline_mode<synchronous>, transform_indices = @transform_1, window_bounds = array<i64: 2048, 128>}, {pipeline_mode = #tpu.pipeline_mode<synchronous>, transform_indices = @transform_2, window_bounds = array<i64: 1, 1>}, {transform_indices = @transform_3, window_bounds = array<i64: 2, 25600>}, {transform_indices = @transform_4, window_bounds = array<i64: 25600>}, {transform_indices = @transform_5, window_bounds = array<i64: 25600>}, {transform_indices = @transform_6, window_bounds = array<i64: 25600>}, {transform_indices = @transform_7, window_bounds = array<i64: 25600>}]} {
    %get3A = arith.constant 0 : index
    %get3A_0 = arith.constant 0 : index
    %get3A_1 = vector.load %arg1[%get3A, %get3A_0] : memref<200x2048xf32, #tpu.memory_space<vmem>>, vector<200x2048xf32>
    %get3A_2 = arith.constant 0 : index
    %get3A_3 = arith.constant 0 : index
    %get3A_4 = vector.load %arg2[%get3A_2, %get3A_3] : memref<2048x128xf32, #tpu.memory_space<vmem>>, vector<2048x128xf32>
    %dot_general3A = arith.constant dense<0.000000e+00> : vector<200x128xf32>
    %dot_general3A_5 = tpu.matmul %get3A_1, %get3A_4, %dot_general3A {dimension_numbers = #tpu.dot_dimension_numbers<[1], [0], [0], [1], [0, 0, 1, 1], [], []>, precision = #tpu.contract_precision<fp32>, transpose_lhs_hint = false} : vector<200x2048xf32>, vector<2048x128xf32>, vector<200x128xf32> -> vector<200x128xf32>
    %get3A_6 = arith.constant 0 : index
    %get3A_7 = arith.constant 0 : index
    %get3A_8 = vector.load %arg3[%get3A_6, %get3A_7] : memref<1x1xf32, #tpu.memory_space<vmem>>, vector<1x1xf32>
    %get3A_9 = vector.extract %get3A_8[0, 0] : f32 from vector<1x1xf32>
    %add3A = vector.broadcast %get3A_9 : f32 to vector<200x128xf32>
    %add3A_10 = arith.addf %dot_general3A_5, %add3A : vector<200x128xf32>
    %custom_jvp_call3A = arith.constant 0.000000e+00 : f32
    %max3A = vector.broadcast %custom_jvp_call3A : f32 to vector<200x128xf32>
    %max3A_11 = arith.maximumf %add3A_10, %max3A : vector<200x128xf32>
    %sub3A = vector.broadcast %custom_jvp_call3A : f32 to vector<200x128xf32>
    %sub3A_12 = arith.subf %add3A_10, %sub3A : vector<200x128xf32>
    %ne3A = arith.cmpf one, %sub3A_12, %sub3A_12 : vector<200x128xf32>
    %add3A_13 = vector.broadcast %custom_jvp_call3A : f32 to vector<200x128xf32>
    %add3A_14 = arith.addf %add3A_10, %add3A_13 : vector<200x128xf32>
    %abs3A = math.absf %sub3A_12 : vector<200x128xf32>
    %neg3A = arith.constant 0.000000e+00 : f32
    %neg3A_15 = vector.broadcast %neg3A : f32 to vector<200x128xf32>
    %neg3A_16 = arith.subf %neg3A_15, %abs3A : vector<200x128xf32>
    %exp3A = math.exp %neg3A_16 : vector<200x128xf32>
    %log1p3A = math.log1p %exp3A : vector<200x128xf32>
    %add3A_17 = arith.addf %max3A_11, %log1p3A : vector<200x128xf32>
    %select_n3A = arith.select %ne3A, %add3A_14, %add3A_17 : vector<200x128xi1>, vector<200x128xf32>
    %neg3A_18 = arith.constant 0.000000e+00 : f32
    %neg3A_19 = vector.broadcast %neg3A_18 : f32 to vector<200x128xf32>
    %neg3A_20 = arith.subf %neg3A_19, %select_n3A : vector<200x128xf32>
    %reshape3A = vector.shape_cast %neg3A_20 : vector<200x128xf32> to vector<25600xf32>
    %swap3A = arith.constant 0 : index
    %swap3A_21 = vector.load %arg5[%swap3A] : memref<25600xf32, #tpu.memory_space<vmem>>, vector<25600xf32>
    tpu.vector_store %arg5[%swap3A], %reshape3A {strides = array<i32>} : memref<25600xf32, #tpu.memory_space<vmem>>, vector<25600xf32>,
    %exp3A_22 = math.exp %neg3A_20 : vector<200x128xf32>
    %reshape3A_23 = vector.shape_cast %exp3A_22 : vector<200x128xf32> to vector<25600xf32>
    %swap3A_24 = arith.constant 0 : index
    %swap3A_25 = vector.load %arg6[%swap3A_24] : memref<25600xf32, #tpu.memory_space<vmem>>, vector<25600xf32>
    tpu.vector_store %arg6[%swap3A_24], %reshape3A_23 {strides = array<i32>} : memref<25600xf32, #tpu.memory_space<vmem>>, vector<25600xf32>,
    %get3A_26 = arith.constant 0 : index
    %get3A_27 = arith.constant 0 : index
    %get3A_28 = vector.load %arg4[%get3A_26, %get3A_27] : memref<2x25600xi32, #tpu.memory_space<vmem>>, vector<1x25600xi32>
    %get3A_29 = vector.shape_cast %get3A_28 : vector<1x25600xi32> to vector<25600xi32>
    %swap3A_30 = arith.constant 0 : index
    %swap3A_31 = vector.load %arg7[%swap3A_30] : memref<25600xi32, #tpu.memory_space<vmem>>, vector<25600xi32>
    tpu.vector_store %arg7[%swap3A_30], %get3A_29 {strides = array<i32>} : memref<25600xi32, #tpu.memory_space<vmem>>, vector<25600xi32>,
    %get3A_32 = arith.constant 1 : index
    %get3A_33 = arith.constant 0 : index
    %get3A_34 = vector.load %arg4[%get3A_32, %get3A_33] : memref<2x25600xi32, #tpu.memory_space<vmem>>, vector<1x25600xi32>
    %get3A_35 = vector.shape_cast %get3A_34 : vector<1x25600xi32> to vector<25600xi32>
    %swap3A_36 = arith.constant 0 : index
    %swap3A_37 = vector.load %arg8[%swap3A_36] : memref<25600xi32, #tpu.memory_space<vmem>>, vector<25600xi32>
    tpu.vector_store %arg8[%swap3A_36], %get3A_35 {strides = array<i32>} : memref<25600xi32, #tpu.memory_space<vmem>>, vector<25600xi32>,
    return
  }
  func.func @transform_0(%arg0: i32) -> (i32, i32) {
    %c0_i32 = arith.constant 0 : i32
    %c0_i32_0 = arith.constant 0 : i32
    return %arg0, %c0_i32 : i32, i32
  }
  func.func @transform_1(%arg0: i32) -> (i32, i32) {
    %c0_i32 = arith.constant 0 : i32
    %c0_i32_0 = arith.constant 0 : i32
    %c0_i32_1 = arith.constant 0 : i32
    return %c0_i32, %c0_i32_0 : i32, i32
  }
  func.func @transform_2(%arg0: i32) -> (i32, i32) {
    %c0_i32 = arith.constant 0 : i32
    %c0_i32_0 = arith.constant 0 : i32
    %c0_i32_1 = arith.constant 0 : i32
    return %c0_i32, %c0_i32_0 : i32, i32
  }
  func.func @transform_3(%arg0: i32) -> (i32, i32) {
    %c0_i32 = arith.constant 0 : i32
    %c0_i32_0 = arith.constant 0 : i32
    return %c0_i32, %arg0 : i32, i32
  }
  func.func @transform_4(%arg0: i32) -> i32 {
    %c0_i32 = arith.constant 0 : i32
    return %arg0 : i32
  }
  func.func @transform_5(%arg0: i32) -> i32 {
    %c0_i32 = arith.constant 0 : i32
    return %arg0 : i32
  }
  func.func @transform_6(%arg0: i32) -> i32 {
    %c0_i32 = arith.constant 0 : i32
    return %arg0 : i32
  }
  func.func @transform_7(%arg0: i32) -> i32 {
    %c0_i32 = arith.constant 0 : i32
    return %arg0 : i32
  }
}

module attributes {stable_mosaic.version = 14 : i64} {
  func.func @_log_body(%arg0: memref<2x784x128xf32, #tpu.memory_space<vmem>>, %arg1: memref<784x128xf32, #tpu.memory_space<vmem>>) attributes {dimension_semantics = [], scalar_prefetch = 0 : i64, scratch_operands = 0 : i64, tpu.core_type = #tpu.core_type<tc>} {
    %get3A = arith.constant 0 : index
    %get3A_0 = arith.constant 0 : index
    %get3A_1 = arith.constant 0 : index
    %get3A_2 = vector.load %arg0[%get3A, %get3A_0, %get3A_1] : memref<2x784x128xf32, #tpu.memory_space<vmem>>, vector<1x784x128xf32>
    %get3A_3 = vector.shape_cast %get3A_2 : vector<1x784x128xf32> to vector<784x128xf32>
    %get3A_4 = arith.constant 1 : index
    %get3A_5 = arith.constant 0 : index
    %get3A_6 = arith.constant 0 : index
    %get3A_7 = vector.load %arg0[%get3A_4, %get3A_5, %get3A_6] : memref<2x784x128xf32, #tpu.memory_space<vmem>>, vector<1x784x128xf32>
    %get3A_8 = vector.shape_cast %get3A_7 : vector<1x784x128xf32> to vector<784x128xf32>
    %add3A = arith.addf %get3A_3, %get3A_8 : vector<784x128xf32>
    %log3A = math.log %add3A : vector<784x128xf32>
    %swap3A = arith.constant 0 : index
    %swap3A_9 = arith.constant 0 : index
    %swap3A_10 = vector.load %arg1[%swap3A, %swap3A_9] : memref<784x128xf32, #tpu.memory_space<vmem>>, vector<784x128xf32>
    tpu.vector_store %arg1[%swap3A, %swap3A_9], %log3A {strides = array<i32>} : memref<784x128xf32, #tpu.memory_space<vmem>>, vector<784x128xf32>,
    return
  }
}

</mosaic_0001>

<sc_bundles>
// kernel: closed_call.6.cloned.1.call-start
scs
__scs_entry_jumppad:
0x0: {  	(pc) =	sbr.rel $0x88, $3  }
0x1: {  	(tag) =	ssettag $0x0;
	lr =	simm.s32 $0x1  }
0x2: {  	[smem:$0x3F9C] =	sst lr;
	_ =	strace $0xD0000000  }
0x3: {  	_ = 	snop  }
0x4: {  	_ = 	snop  }
0x5: {  	_ = 	snop  }
0x6: {  	_ = 	snop  }
0x7: {  	_ = 	snop  }
__scs_overlays_trampoline_lowered:
0x8: {  	[smem:$0x3FAB] =	sst s0  }
0x9: {  	[smem:$0x3FAC] =	sst s1  }
0xa: {  	[smem:$0x3FAD] =	sst s2  }
0xb: {  	[smem:$0x3FAE] =	sst s3  }
0xc: {  	[smem:$0x3FAF] =	sst s4  }
0xd: {  	[smem:$0x3FB0] =	sst s5  }
0xe: {  	[smem:$0x3FB1] =	sst s6  }
0xf: {  	[smem:$0x3FB2] =	sst s7  }
0x10: {  	[smem:$0x3FB3] =	sst s8  }
0x11: {  	[smem:$0x3FB4] =	sst s9;
	s0 =	simm.s32 @!p0 $0x0  }
0x12: {  	s1 =	sld [smem:$0x3F9A];
	s0 =	simm.s32 @p0 $0x1  }
0x13: {  	[smem:$0x3FB5] =	sst s0;
	s0 =	simm.s32 @!p1 $0x0  }
0x14: {  	s2 =	sld [smem:$0x3F99];
	s0 =	simm.s32 @p1 $0x1  }
0x15: {  	[smem:$0x3FB6] =	sst s0;
	s0 =	simm.s32 @!p2 $0x0  }
0x16: {  	s3 =	sld [smem:$0x3FDB];
	s0 =	simm.s32 @p2 $0x1  }
0x17: {  	s4 =	simm.s32 $0x1BF5;
	[smem:$0x3FB8] =	sst s0  }
0x18: {  	s0 =	sld [smem:$0x3F9B];
	_ =	swait.ge [sflag:s4], $0x0  }
0x19: {  	s7 =	sld [smem:$0x3F9C]  }
0x1a: {  	s8 =	sadd.s32 $0xFFFFE003, lr  }
0x1b: {  	s9 =	sadd.s32 $0xFFFFFEF7, lr;
	s5 =	simm.s32 $0xFFFFFFFF;
	p2 =	slt.u32 s8, $0xFFFFF086  }
0x1c: {  	p1 =	slt.u32 s9, $0xF7A;
	s5 =	simm.s32 @!p2 $0x0  }
0x1d: {  	s5 =	simm.s32 @p1 $0x1;
	p0 =	seq.s32 s7, s2  }
0x1e: {  	s7 =	smul.u32 @!p0 $0xF7A, s2;
	p2 =	seq.s32 @!p0 s5, $0x0  }
0x1f: {  	s9 =	smul.u32 $0xF7A, s1;
	s8 =	simm.s32 @!p0 $0x1BF5;
	p2 =	por !p2, p0  }
0x20: {  	[sflag:s8] =	ssyncset.s32 @!p0 $0xFFFFF086;
	s6 =	sadd.s32 @!p0 s3, s7;
	s7 =	simm.s32 @!p0 $0x108  }
0x21: {  	s3 =	sadd.s32 s3, s9;
	s6 =	sadd.s32 @!p0 $0x88, s6;
	s7 =	simm.s32 @p2 $0x1082  }
0x22: {  	[simem:s7], [sflag:s8] =	dma.local @!p0 [hbm:s6], $0xF7A  }
0x23: {  	s9 =	sor.u32 $0xD0000000, s2;
	s6 =	simm.s32 $0x108;
	_ =	swait.ge @!p0 [sflag:s8], $0x0  }
0x24: {  	s3 =	sadd.s32 $0x88, s3;
	s6 =	simm.s32 @!p1 $0x1082;
	[sflag:s4] =	ssyncset.s32 $0xFFFFF086  }
0x25: {  	[simem:s6], [sflag:s4] =	dma.local [hbm:s3], $0xF7A  }
0x26: {  	[smem:$0x3F9C] =	sst s1;
	(tag) =	ssettag s2;
	_ =	strace s9  }
0x27: {  	s1 =	sld [smem:$0x3FAC]  }
0x28: {  	s2 =	sld [smem:$0x3FAD]  }
0x29: {  	s4 =	sld [smem:$0x3FAF]  }
0x2a: {  	p0 =	seq.s32 s5, $0x0;
	s5 =	sld [smem:$0x3FB0]  }
0x2b: {  	s6 =	sld [smem:$0x3FB1]  }
0x2c: {  	s7 =	sld [smem:$0x3FB2]  }
0x2d: {  	s3 =	simm.s32 $0x108;
	s8 =	sld [smem:$0x3FB3]  }
0x2e: {  	s3 =	simm.s32 @!p0 $0x1082;
	s9 =	sld [smem:$0x3FB4]  }
0x2f: {  	lr =	sadd.s32 s0, s3;
	s0 =	sld [smem:$0x3FAB]  }
0x30: {  	s3 =	sld [smem:$0x3FAE]  }
0x31: {  	[smem:$0x3FB7] =	sst s10  }
0x32: {  	s10 =	sld [smem:$0x3FB5];
	_ =	sdelay $0x3  }
0x33: {  	p0 =	seq.s32 s10, $0x1;
	s10 =	sld [smem:$0x3FB7];
	_ =	sdelay $0x3  }
0x34: {  	[smem:$0x3FB7] =	sst s10  }
0x35: {  	s10 =	sld [smem:$0x3FB6];
	_ =	sdelay $0x3  }
0x36: {  	p1 =	seq.s32 s10, $0x1;
	s10 =	sld [smem:$0x3FB7];
	_ =	sdelay $0x3  }
0x37: {  	[smem:$0x3FB7] =	sst s10  }
0x38: {  	s10 =	sld [smem:$0x3FB8]  }
0x39: {  	_ = 	snop;
	(pc) =	sbr.ind lr, $3  }
0x3a: {  	_ = 	snop  }
0x3b: {  	_ = 	snop  }
0x3c: {  	p2 =	seq.s32 s10, $0x1;
	s10 =	sld [smem:$0x3FB7]  }
0x3d: {  	_ =	shalt  }
0x3e: {  	_ =	shalt  }
0x3f: {  	_ =	shalt  }
0x40: {  	_ =	shalt  }
0x41: {  	_ =	shalt  }
0x42: {  	_ =	shalt  }
0x43: {  	_ =	shalt  }
0x44: {  	_ =	shalt  }
0x45: {  	_ =	shalt  }
0x46: {  	_ =	shalt  }
0x47: {  	_ =	shalt  }
0x48: {  	_ =	shalt  }
0x49: {  	_ =	shalt  }
0x4a: {  	_ =	shalt  }
0x4b: {  	_ =	shalt  }
0x4c: {  	_ =	shalt  }
0x4d: {  	_ =	shalt  }
0x4e: {  	_ =	shalt  }
0x4f: {  	_ =	shalt  }
0x50: {  	_ =	shalt  }
0x51: {  	_ =	shalt  }
0x52: {  	_ =	shalt  }
0x53: {  	_ =	shalt  }
0x54: {  	_ =	shalt  }
0x55: {  	_ =	shalt  }
0x56: {  	_ =	shalt  }
0x57: {  	_ =	shalt  }
0x58: {  	_ =	shalt  }
0x59: {  	_ =	shalt  }
0x5a: {  	_ =	shalt  }
0x5b: {  	_ =	shalt  }
0x5c: {  	_ =	shalt  }
0x5d: {  	_ =	shalt  }
0x5e: {  	_ =	shalt  }
0x5f: {  	_ =	shalt  }
0x60: {  	_ =	shalt  }
0x61: {  	_ =	shalt  }
0x62: {  	_ =	shalt  }
0x63: {  	_ =	shalt  }
0x64: {  	_ =	shalt  }
0x65: {  	_ =	shalt  }
0x66: {  	_ =	shalt  }
0x67: {  	_ =	shalt  }
0x68: {  	_ =	shalt  }
0x69: {  	_ =	shalt  }
0x6a: {  	_ =	shalt  }
0x6b: {  	_ =	shalt  }
0x6c: {  	_ =	shalt  }
0x6d: {  	_ =	shalt  }
0x6e: {  	_ =	shalt  }
0x6f: {  	_ =	shalt  }
0x70: {  	_ =	shalt  }
0x71: {  	_ =	shalt  }
0x72: {  	_ =	shalt  }
0x73: {  	_ =	shalt  }
0x74: {  	_ =	shalt  }
0x75: {  	_ =	shalt  }
0x76: {  	_ =	shalt  }
0x77: {  	_ =	shalt  }
0x78: {  	_ =	shalt  }
0x79: {  	_ =	shalt  }
0x7a: {  	_ =	shalt  }
0x7b: {  	_ =	shalt  }
0x7c: {  	_ =	shalt  }
0x7d: {  	_ =	shalt  }
0x7e: {  	_ =	shalt  }
0x7f: {  	_ =	shalt  }
0x80: {  	_ =	shalt  }
0x81: {  	_ =	shalt  }
0x82: {  	_ =	shalt  }
0x83: {  	_ =	shalt  }
0x84: {  	_ =	shalt  }
0x85: {  	_ =	shalt  }
0x86: {  	_ =	shalt  }
0x87: {  	_ =	shalt  }
.Lfunc_end0:
.L_simem_size_0:
called_computation_lowered:
.L_overlay_start_0:
0x88: {  	s2 =	sld [smem:$0x3FD9]  }
0x89: {  	s3 =	sld [smem:$0x3FFE];
	_ =	sdelay $0x1  }
0x8a: {  	s1 =	srdreg.scid  }
0x8b: {  	s0 =	sand.u32 $0x1, s1  }
0x8c: {  	s14 =	sshll.u32 s0, $0xA;
	s2 =	sadd.s32 s3, s2  }
0x8d: {  	s2 =	sadd.s32 s2, s14  }
0x8e: {  	[smem:$0x3FC3] =	sst s2  }
0x8f: {  	_ = 	snop  }
0x90: {  	s2 =	sld [smem:$0x3FD0];
	_ =	sdelay $0x2  }
0x91: {  	s15 =	simm.s32 $0xA;
	s4 =	simm.s32 $0x10  }
0x92: {  	[smem:s4], [sflag:s15] =	dma.local [hbm:s2], $0x1  }
0x93: {  	_ =	swait.eq [sflag:s15], $0x1  }
0x94: {  	[sflag:s15] =	ssyncset.done $0x0  }
0x95: {  	s16 =	sld [smem:$0x11];
	[sflag:s15] =	ssyncadd.s32 $0xFFFFFFFF  }
0x96: {  	s17 =	sld [smem:$0x12];
	(tm) =	ssettm $0x1  }
0x97: {  	s18 =	sld [smem:$0x3FFB];
	_ =	sdelay $0x3  }
0x98: {  	_ =	strace s18  }
0x99: {  	s4 =	sld [smem:$0x3FFC];
	_ =	sdelay $0x3  }
0x9a: {  	_ =	strace s4  }
0x9b: {  	s4 =	sld [smem:$0x3FFD];
	_ =	sdelay $0x3  }
0x9c: {  	_ =	strace s4  }
0x9d: {  	_ =	strace $0x8FFFFFFF  }
0x9e: {  	s19 =	sld [smem:$0x3FDB];
	_ =	sdelay $0x1  }
0x9f: {  	s5 =	simm.s32 $_scs_section_size  }
0xa0: {  	s6 =	simm.s32 $_size__tile_overlayer_lowered;
	s7 =	simm.s32 $_tile_overlayer_lowered  }
0xa1: {  	s22 =	simm.s32 $0x1BFF;
	s21 =	sshll.u32 s7, $0x1;
	s4 =	sadd.s32 s5, s19  }
0xa2: {  	s8 =	simm.s32 $0x0;
	s20 =	sshll.u32 s6, $0x1;
	s6 =	sadd.s32 s21, s4  }
0xa3: {  	[timem:s8], [sflag:s22] =	dma.local [hbm:s6], s20  }
0xa4: {  	_ =	swait.ge [sflag:s22], s20  }
0xa5: {  	s5 =	ssub.s32 $0x0, s20;
	[sflag:s22] =	ssyncset.done $0x0  }
0xa6: {  	[sflag:s22] =	ssyncadd.s32 s5;
	_ =	sdelay $0x1  }
0xa7: {  	s23 =	simm.s32 $0x1B8B  }
0xa8: {  	_ =	swait.ge [sflag:s23], $0x1  }
0xa9: {  	[sflag:s23] =	ssyncset.done $0x0  }
0xaa: {  	s25 =	simm.s32 $0x1B8E;
	s24 =	sld [smem:$0x3FFE];
	[sflag:s23] =	ssyncadd.s32 $0xFFFFFFFF  }
0xab: {  	s26 =	simm.s32 $execute0_lowered;
	[smem:$0x3FD2] =	sst s25  }
0xac: {  	s6 =	sshll.u32 s26, $0x1;
	_ =	strace $0x80000049;
	[dreg:$0x1] =	wrdreg $0xFFFFFFFF  }
0xad: {  	s28 =	simm.s32 $_size_execute0_lowered;
	s4 =	sadd.s32 s4, s6;
	[dreg:$0x0] =	wrdreg $0x0  }
0xae: {  	s6 =	sshll.u32 s28, $0x1;
	[dreg:$0x2] =	wrdreg s4  }
0xaf: {  	[dreg:$0x3] =	wrdreg s6  }
0xb0: {  	[dreg:$0x4] =	wrdreg $0xC0  }
0xb1: {  	_ =	task [dreg:s8], $0x5FFFF  }
0xb2: {  	[dreg:$0x1] =	wrdreg $0xFFFFFFFF  }
0xb3: {  	[dreg:$0x0] =	wrdreg $0x60  }
0xb4: {  	[dreg:$0x2] =	wrdreg s24  }
0xb5: {  	[dreg:$0x3] =	wrdreg s16  }
0xb6: {  	[dreg:$0x4] =	wrdreg s17  }
0xb7: {  	[dreg:$0x5] =	wrdreg $0x1C7000  }
0xb8: {  	[dreg:$0x6] =	wrdreg $0x9  }
0xb9: {  	_ =	task.clear_ibuf [dreg:s8], $0x7FFFF;
	_ =	strace $0x90000049  }
0xba: {  	s29 =	simm.s32 $0x9;
	_ =	strace $0x8000004B  }
0xbb: {  	_ =	swait.ge [sflag:s29], $0x1  }
0xbc: {  	[sflag:s29] =	ssyncadd.s32 $0xFFFFFFFF  }
0xbd: {  	_ =	strace $0x9000004B  }
0xbe: {  	_ =	sfence  }
0xbf: {  	s30 =	sld [smem:$0x0];
	_ =	sdelay $0x2  }
0xc0: {  	s31 =	sshll.u32 s1, $0xD;
	s1 =	sshrl.u32 s1, $0x2  }
0xc1: {  	s3 =	sand.u32 $0x4000, s31;
	s1 =	sadd.s32 s1, s30  }
0xc2: {  	s0 =	sor.u32 s3, s0;
	s1 =	sshll.u32 s1, $0x11  }
0xc3: {  	s0 =	sor.u32 s1, s0  }
0xc4: {  	s0 =	sadd.s32 $0x8F2B, s0  }
0xc5: {  	[sflag:s0] =	ssyncadd.remote.s32 $0x1  }
0xc6: {  	_ =	sfence.sel $0xFFFF  }
0xc7: {  	[dreg:$0x0] =	wrdreg $0xFFFFFFFF;
	(pc) =	sbr.abs _section_cstart, $3  }
0xc8: {  	[dreg:$0x1] =	wrdreg $0xFFFFFFFF  }
0xc9: {  	_ =	task.clear_ibuf [dreg:s8], $0x2FFFF;
	_ =	strace $0x9FFFFFFF  }
0xca: {  	(tm) =	ssettm $0x7FFFFFFF  }
0xcb: {  	_ =	shalt  }
tec
execute0_lowered:
.L_overlay_start_1:
0x0: {  	(tag) =	ssettag $0x1  }
0x1: {  	s0 =	rddreg [dreg:$0x0]  }
0x2: {  	s1 =	rddreg [dreg:$0x1]  }
0x3: {  	s2 =	rddreg [dreg:$0x2]  }
0x4: {  	s3 =	rddreg [dreg:$0x3];
	s4 =	simm.s32 $0x0  }
0x5: {  	s5 =	srdreg.scid;
	s13 =	stileid.u32;
	s28 =	simm.s32 $0x3800  }
0x6: {  	s29 =	simm.s32 $0x2;
	s30 =	simm.s32 $0x5;
	s31 =	simm.s32 $0x4000  }
0x7: {  	s15 =	simm.s32 $0x0;
	[smem:$0x7FF] =	sst s4;
	s5 =	sand.u32 $0x1, s5  }
0x8: {  	s6 =	sadd.s32 $0x63400, s0;
	s7 =	sadd.s32 $0xC5000, s0;
	s11 =	smul.u32 $0x186A0, s13  }
0x9: {  	s8 =	sadd.s32 $0x1800, s0;
	s10 =	smul.u32 $0x186A00, s5;
	s20 =	ssub.s32 $0x2, s5  }
0xa: {  	s9 =	sadd.s32 $0x126C00, s0;
	s21 =	sadd.s32 $0x3100, s2;
	s12 =	sshrl.u32 s20, $0x1  }
0xb: {  	_ =	strace $0x8000004A;
	s11 =	sadd.s32 s11, s10;
	s0 =	ssub.s32 s20, s12  }
0xc: {  	[dreg:$0x5] =	wrdreg s21;
	s22 =	sshrl.u32 s11, $0x3;
	s0 =	smax.u32 s0, $0x1  }
0xd: {  	s5 =	smul.u32 $0x18800, s5;
	s14 =	sadd.s32 s6, s22;
	[dreg:$0xa] =	wrdreg s0  }
0xe: {  	s10 =	smul.u32 $0x1880, s13;
	s23 =	sadd.s32 s7, s22;
	[dreg:$0x7] =	wrdreg s14  }
0xf: {  	s16 =	sadd.s32 $0x7D0, s11;
	s12 =	sadd.s32 s8, s22;
	[dreg:$0x8] =	wrdreg s23  }
0x10: {  	s17 =	sadd.s32 $0xFA0, s11;
	s13 =	sadd.s32 s10, s3;
	[dreg:$0x9] =	wrdreg s12  }
0x11: {  	s11 =	simm.s32 $0x7D0;
	s24 =	sadd.s32 $0x620, s13;
	[dreg:$0x6] =	wrdreg s13  }
0x12: {  	s18 =	sadd.s32 s5, s10;
	s25 =	sadd.s32 $0xC40, s13;
	[dreg:$0xb] =	wrdreg s24  }
0x13: {  	s0 =	simm.s32 $0x2000;
	s26 =	sadd.s32 $0x1260, s13;
	[dreg:$0xc] =	wrdreg s25  }
0x14: {  	s5 =	simm.s32 $0x2800;
	s13 =	simm.s32 $0x3;
	[dreg:$0xd] =	wrdreg s26  }
0x15: {  	v0 =	vimm.f32 $0.0e+00;
	s24 =	simm.s32 $0x1800;
	s25 =	simm.s32 $0x1;
	s26 =	simm.s32 $0x3000  }
.LBB2_1:
0x16: {  	s12 =	simm.s32 $0x1000  }
0x17: {  	[tilespmem:s12], [sflag:$0x1] =	stream.linear.gather [hbm4b:s2+s4], $0x7D0, $0x38;
	[tilespmem:$0x1DF80] =	vst v63  }
0x18: {  	s23 =	rddreg [dreg:$0x5]  }
0x19: {  	[tilespmem:s24], [sflag:$0x1] =	stream.linear.gather [hbm4b:s23+s4], $0x7D0, $0x38;
	[tilespmem:$0x1DF80] =	vst v63  }
0x1a: {  	s19 =	simm.s32 $0x47D0;
	s20 =	simm.s32 $0x0;
	s23 =	simm.s32 $0x4000  }
.LBB2_2:
0x1b: {  	_ =	swait.ge [sflag:s25], $0x7D0  }
0x1c: {  	s21 =	smul.u32 $0xFA0, s20;
	[sflag:s25] =	ssyncset.done $0x0  }
0x1d: {  	[sflag:s25] =	ssyncadd.s32 $0xFFFFF830  }
0x1e: {  	s12 =	sshrl.u32 s21, $0x3;
	_ =	swait.ge [sflag:s25], $0x7D0  }
0x1f: {  	s12 =	sadd.s32 s2, s12;
	[sflag:s25] =	ssyncset.done $0x0  }
0x20: {  	s14 =	simm.s32 $0x0;
	s22 =	sadd.s32 $0xFA, s12;
	[sflag:s25] =	ssyncadd.s32 $0xFFFFF830  }
0x21: {  	[tilespmem:s26], [sflag:$0x2] =	stream.linear.gather [hbm4b:s22+s14], $0x7D0, $0x38;
	[tilespmem:$0x1DF80] =	vst v63  }
0x22: {  	s12 =	sadd.s32 $0x31FA, s12;
	s22 =	simm.s32 $0x0  }
0x23: {  	[tilespmem:s28], [sflag:$0x2] =	stream.linear.gather [hbm4b:s12+s14], $0x7D0, $0x38;
	[tilespmem:$0x1DF80] =	vst v63  }
0x24: {  	v1 =	vmov s23;
	s12 =	simm.s32 $0x40;
	v2 =	vld [tilespmem:s22+$0x1800]  }
.LBB2_3:
0x25: {  	p0 =	sne.s32 s12, $0x1F00;
	v3 =	vld [tilespmem:s22+$0x1000];
	_ =	sdelay $0x3  }
.Ltmp0:
0x26: {  	(pc) =	sbr.rel @p0 .LBB2_3-.Ltmp0, $3  }
0x27: {  	v2 =	vadd.f32 v2, v3;
	_ =	sdelay $0x1  }
0x28: {  	[tilespmem:v1+s22+$0x0 ss:$0x1] =	vst.idx.msk $0xffff, v2;
	s22 =	sshra.s32 s12, $0x2  }
0x29: {  	s12 =	sadd.s32 $0x40, s12;
	v2 =	vld [tilespmem:s22+$0x1800]  }
0x2a: {  	v3 =	vld [tilespmem:s22+$0x1000];
	_ =	sdelay $0x4  }
0x2b: {  	v2 =	vadd.f32 v2, v3;
	_ =	sdelay $0x1  }
0x2c: {  	[tilespmem:v1+s22+$0x0 ss:$0x1] =	vst.idx.msk $0xffff, v2  }
0x2d: {  	_ =	swait.ge [sflag:s29], $0x7D0  }
0x2e: {  	[sflag:s29] =	ssyncset.done $0x0  }
0x2f: {  	p0 =	seq.s32 s20, $0x18;
	[sflag:s29] =	ssyncadd.s32 $0xFFFFF830  }
0x30: {  	s12 =	sshrl.u32 @!p0 s21, $0x3;
	_ =	swait.ge [sflag:s29], $0x7D0  }
0x31: {  	s21 =	simm.s32 @!p0 $0x0;
	s12 =	sadd.s32 @!p0 s2, s12;
	[sflag:s29] =	ssyncset.done $0x0  }
0x32: {  	s14 =	sadd.s32 @!p0 $0x1F4, s12;
	s22 =	simm.s32 @!p0 $0x1000;
	[sflag:s29] =	ssyncadd.s32 $0xFFFFF830  }
0x33: {  	[tilespmem:s22], [sflag:$0x1] =	stream.linear.gather @!p0 [hbm4b:s14+s21], $0x7D0, $0x38;
	[tilespmem:$0x1DF80] =	vst v63  }
0x34: {  	s12 =	sadd.s32 @!p0 $0x32F4, s12;
	s14 =	simm.s32 @!p0 $0x1800  }
0x35: {  	[tilespmem:s14], [sflag:$0x1] =	stream.linear.gather @!p0 [hbm4b:s12+s21], $0x7D0, $0x38;
	[tilespmem:$0x1DF80] =	vst v63  }
0x36: {  	s21 =	simm.s32 $0x0  }
0x37: {  	v1 =	vmov s19;
	s12 =	simm.s32 $0x40;
	v2 =	vld [tilespmem:s21+$0x3800]  }
.LBB2_5:
0x38: {  	p0 =	sne.s32 s12, $0x1F00;
	v3 =	vld [tilespmem:s21+$0x3000];
	_ =	sdelay $0x3  }
.Ltmp1:
0x39: {  	(pc) =	sbr.rel @p0 .LBB2_5-.Ltmp1, $3  }
0x3a: {  	v2 =	vadd.f32 v2, v3;
	_ =	sdelay $0x1  }
0x3b: {  	[tilespmem:v1+s21+$0x0 ss:$0x1] =	vst.idx.msk $0xffff, v2;
	s21 =	sshra.s32 s12, $0x2  }
0x3c: {  	s12 =	sadd.s32 $0x40, s12;
	v2 =	vld [tilespmem:s21+$0x3800]  }
0x3d: {  	v3 =	vld [tilespmem:s21+$0x3000]  }
0x3e: {  	s20 =	sadd.s32 $0x1, s20  }
0x3f: {  	p0 =	seq.s32 s20, $0x19  }
.Ltmp2:
0x40: {  	_ = 	snop;
	(pc) =	sbr.rel @!p0 .LBB2_2-.Ltmp2, $3  }
0x41: {  	_ = 	snop  }
0x42: {  	v2 =	vadd.f32 v2, v3;
	_ =	sdelay $0x1  }
0x43: {  	s23 =	sadd.s32 $0xFA0, s23;
	s19 =	sadd.s32 $0xFA0, s19;
	[tilespmem:v1+s21+$0x0 ss:$0x1] =	vst.idx.msk $0xffff, v2  }
0x44: {  	s12 =	simm.s32 $0x40;
	s19 =	simm.s32 $0x0  }
.LBB2_8:
0x45: {  	p0 =	seq.s32 s12, $0x1840;
	[tilespmem:s19+$0x1800] =	vst v0;
	s14 =	smov.u32 s12;
	s12 =	sadd.s32 $0x40, s12  }
.Ltmp3:
0x46: {  	(pc) =	sbr.rel @!p0 .LBB2_8-.Ltmp3, $2  }
0x47: {  	_ =	sdelay $0x2  }
0x48: {  	s19 =	sshra.s32 s14, $0x2  }
0x49: {  	[tilespmem:s19+$0x1800] =	vst v0;
	s12 =	rddreg [dreg:$0x6]  }
0x4a: {  	[spmem:s12] =	stream.linear.scatter [tilespmem:s24], [sflag:$0x5], $0x620, $0x38;
	[tilespmem:$0x1DF80] =	vst v63  }
0x4b: {  	_ =	swait.ge [sflag:s30], $0x620  }
0x4c: {  	[sflag:s30] =	ssyncset.done $0x0  }
0x4d: {  	s22 =	rddreg [dreg:$0xb];
	[sflag:s30] =	ssyncadd.s32 $0xFFFFF9E0  }
0x4e: {  	[spmem:s22] =	stream.linear.scatter [tilespmem:s24], [sflag:$0x5], $0x620, $0x38;
	[tilespmem:$0x1DF80] =	vst v63  }
0x4f: {  	_ =	swait.ge [sflag:s30], $0x620  }
0x50: {  	[sflag:s30] =	ssyncset.done $0x0  }
0x51: {  	s23 =	rddreg [dreg:$0xc];
	[sflag:s30] =	ssyncadd.s32 $0xFFFFF9E0  }
0x52: {  	[spmem:s23] =	stream.linear.scatter [tilespmem:s24], [sflag:$0x5], $0x620, $0x38;
	[tilespmem:$0x1DF80] =	vst v63  }
0x53: {  	_ =	swait.ge [sflag:s30], $0x620  }
0x54: {  	[sflag:s30] =	ssyncset.done $0x0  }
0x55: {  	s14 =	rddreg [dreg:$0xd];
	[sflag:s30] =	ssyncadd.s32 $0xFFFFF9E0  }
0x56: {  	[spmem:s14] =	stream.linear.scatter [tilespmem:s24], [sflag:$0x5], $0x620, $0x38;
	[tilespmem:$0x1DF80] =	vst v63  }
0x57: {  	_ =	swait.ge [sflag:s30], $0x620  }
0x58: {  	[sflag:s30] =	ssyncset.done $0x0  }
0x59: {  	[sflag:s30] =	ssyncadd.s32 $0xFFFFF9E0  }
0x5a: {  	[bflag:$0x0] =	sbarrier.arrive $0xFFFF  }
0x5b: {  	s23 =	simm.s32 $0x0;
	s19 =	rddreg [dreg:$0x7]  }
0x5c: {  	[tilespmem:s23], [sflag:$0x1] =	stream.linear.gather [hbm4b:s19+s23], $0x7D0, $0x38;
	[tilespmem:$0x1DF80] =	vst v63  }
0x5d: {  	s14 =	simm.s32 $0x800;
	s20 =	rddreg [dreg:$0x8]  }
0x5e: {  	[tilespmem:s14], [sflag:$0x1] =	stream.linear.gather [hbm4b:s20+s23], $0x7D0, $0x38;
	[tilespmem:$0x1DF80] =	vst v63  }
0x5f: {  	s22 =	simm.s32 $0x1000;
	s21 =	rddreg [dreg:$0x9];
	s19 =	simm.s32 $0x0  }
0x60: {  	[tilespmem:s22], [sflag:$0x1] =	stream.linear.gather [hbm4b:s21+s23], $0x7D0, $0x38;
	[tilespmem:$0x1DF80] =	vst v63  }
.LBB2_10:
0x61: {  	_ =	swait.ge [sflag:s25], $0x7D0  }
0x62: {  	[sflag:s25] =	ssyncset.done $0x0  }
0x63: {  	[sflag:s25] =	ssyncadd.s32 $0xFFFFF830  }
0x64: {  	_ =	swait.ge [sflag:s25], $0x7D0  }
0x65: {  	[sflag:s25] =	ssyncset.done $0x0  }
0x66: {  	[sflag:s25] =	ssyncadd.s32 $0xFFFFF830  }
0x67: {  	_ =	swait.ge [sflag:s25], $0x7D0  }
0x68: {  	s20 =	smul.u32 $0xFA0, s19;
	p0 =	seq.s32 s19, $0x0;
	[sflag:s25] =	ssyncset.done $0x0  }
0x69: {  	s12 =	simm.s32 @!p0 $0x4;
	[sflag:s25] =	ssyncadd.s32 $0xFFFFF830  }
0x6a: {  	s14 =	sadd.s32 s20, s16;
	_ =	swait.ge @!p0 [sflag:s12], $0x7D0  }
0x6b: {  	s14 =	sshrl.u32 s14, $0x3;
	[sflag:s12] =	ssyncset.done @!p0 $0x0  }
0x6c: {  	s22 =	sadd.s32 s6, s14;
	[sflag:s12] =	ssyncadd.s32 @!p0 $0xFFFFF830  }
0x6d: {  	[tilespmem:s0], [sflag:$0x2] =	stream.linear.gather [hbm4b:s22+s23], $0x7D0, $0x38;
	[tilespmem:$0x1DF80] =	vst v63  }
0x6e: {  	s21 =	sadd.s32 s7, s14  }
0x6f: {  	[tilespmem:s5], [sflag:$0x2] =	stream.linear.gather [hbm4b:s21+s23], $0x7D0, $0x38;
	[tilespmem:$0x1DF80] =	vst v63  }
0x70: {  	s22 =	sadd.s32 s8, s14;
	s21 =	simm.s32 $0x0  }
0x71: {  	[tilespmem:s26], [sflag:$0x2] =	stream.linear.gather [hbm4b:s22+s23], $0x7D0, $0x38;
	[tilespmem:$0x1DF80] =	vst v63  }
0x72: {  	v2 =	vld [tilespmem:s21+$0x800];
	_ =	sdelay $0x6  }
0x73: {  	v1 =	vld [tilespmem:s21+$0x1000]  }
0x74: {  	s12 =	simm.s32 $0x80;
	s22 =	simm.s32 $0x10;
	v2 =	vld.idx.msk [tilespmem:v2+s31+$0x0], $0xffff  }
.LBB2_11:
0x75: {  	p0 =	sne.s32 s12, $0x1F00;
	v3 =	vld [tilespmem:s22+$0x800];
	_ =	sdelay $0x3  }
.Ltmp4:
0x76: {  	(pc) =	sbr.rel @p0 .LBB2_11-.Ltmp4, $3  }
0x77: {  	v2 =	vmul.f32 v1, v2;
	_ =	sdelay $0x1  }
0x78: {  	v1 =	vld [tilespmem:s22+$0x1000];
	[tilespmem:s21+$0x1800] =	vst v2;
	s21 =	smov.u32 s22  }
0x79: {  	s22 =	sshra.s32 s12, $0x2;
	s12 =	sadd.s32 $0x40, s12;
	v2 =	vld.idx.msk [tilespmem:v3+s31+$0x0], $0xffff  }
0x7a: {  	v3 =	vld [tilespmem:s22+$0x800];
	_ =	sdelay $0x4  }
0x7b: {  	v1 =	vmul.f32 v1, v2;
	_ =	sdelay $0x1  }
0x7c: {  	v2 =	vld [tilespmem:s22+$0x1000];
	[tilespmem:s21+$0x1800] =	vst v1  }
0x7d: {  	v1 =	vld.idx.msk [tilespmem:v3+s31+$0x0], $0xffff;
	_ =	sdelay $0x4  }
0x7e: {  	v1 =	vmul.f32 v2, v1;
	_ =	sdelay $0x1  }
0x7f: {  	[tilespmem:s22+$0x1800] =	vst v1  }
0x80: {  	[spmem:s3] =	stream.indirect.scatter.add.f32 [tilespmem:s24], [sflag:$0x3], $0x1, s4, s11, $0xb8;
	[tilespmem:$0x1DF80] =	vst v63  }
0x81: {  	_ =	swait.ge [sflag:s29], $0x7D0  }
0x82: {  	[sflag:s29] =	ssyncset.done $0x0  }
0x83: {  	[sflag:s29] =	ssyncadd.s32 $0xFFFFF830  }
0x84: {  	_ =	swait.ge [sflag:s29], $0x7D0  }
0x85: {  	[sflag:s29] =	ssyncset.done $0x0  }
0x86: {  	[sflag:s29] =	ssyncadd.s32 $0xFFFFF830  }
0x87: {  	_ =	swait.ge [sflag:s29], $0x7D0  }
0x88: {  	[sflag:s29] =	ssyncset.done $0x0  }
0x89: {  	p0 =	seq.s32 s19, $0x18;
	[sflag:s29] =	ssyncadd.s32 $0xFFFFF830  }
0x8a: {  	s12 =	sadd.s32 @!p0 s20, s17;
	_ =	swait.ge [sflag:s13], $0x7D0  }
0x8b: {  	s12 =	sshrl.u32 @!p0 s12, $0x3;
	[sflag:s13] =	ssyncset.done $0x0  }
0x8c: {  	s20 =	simm.s32 @!p0 $0x0;
	s14 =	sadd.s32 @!p0 s6, s12;
	[sflag:s13] =	ssyncadd.s32 $0xFFFFF830  }
0x8d: {  	[tilespmem:s20], [sflag:$0x1] =	stream.linear.gather @!p0 [hbm4b:s14+s20], $0x7D0, $0x38;
	[tilespmem:$0x1DF80] =	vst v63  }
0x8e: {  	s21 =	simm.s32 @!p0 $0x800;
	s14 =	sadd.s32 @!p0 s7, s12  }
0x8f: {  	[tilespmem:s21], [sflag:$0x1] =	stream.linear.gather @!p0 [hbm4b:s14+s20], $0x7D0, $0x38;
	[tilespmem:$0x1DF80] =	vst v63  }
0x90: {  	s12 =	sadd.s32 @!p0 s8, s12;
	s14 =	simm.s32 @!p0 $0x1000  }
0x91: {  	[tilespmem:s14], [sflag:$0x1] =	stream.linear.gather @!p0 [hbm4b:s12+s20], $0x7D0, $0x38;
	[tilespmem:$0x1DF80] =	vst v63  }
0x92: {  	s20 =	simm.s32 $0x0  }
0x93: {  	v2 =	vld [tilespmem:s20+$0x2800];
	_ =	sdelay $0x6  }
0x94: {  	v1 =	vld [tilespmem:s20+$0x3000]  }
0x95: {  	s21 =	simm.s32 $0x10;
	s12 =	simm.s32 $0x80;
	v2 =	vld.idx.msk [tilespmem:v2+s31+$0x0], $0xffff  }
.LBB2_13:
0x96: {  	p0 =	sne.s32 s12, $0x1F00;
	v3 =	vld [tilespmem:s21+$0x2800];
	_ =	sdelay $0x3  }
.Ltmp5:
0x97: {  	(pc) =	sbr.rel @p0 .LBB2_13-.Ltmp5, $3  }
0x98: {  	v2 =	vmul.f32 v1, v2;
	_ =	sdelay $0x1  }
0x99: {  	v1 =	vld [tilespmem:s21+$0x3000];
	[tilespmem:s20+$0x3800] =	vst v2;
	s20 =	smov.u32 s21  }
0x9a: {  	s21 =	sshra.s32 s12, $0x2;
	s12 =	sadd.s32 $0x40, s12;
	v2 =	vld.idx.msk [tilespmem:v3+s31+$0x0], $0xffff  }
0x9b: {  	v3 =	vld [tilespmem:s21+$0x2800];
	_ =	sdelay $0x4  }
0x9c: {  	v1 =	vmul.f32 v1, v2;
	_ =	sdelay $0x1  }
0x9d: {  	v2 =	vld [tilespmem:s21+$0x3000];
	[tilespmem:s20+$0x3800] =	vst v1  }
0x9e: {  	v1 =	vld.idx.msk [tilespmem:v3+s31+$0x0], $0xffff;
	_ =	sdelay $0x1  }
0x9f: {  	s19 =	sadd.s32 $0x1, s19  }
0xa0: {  	p0 =	sne.s32 s19, $0x19  }
.Ltmp6:
0xa1: {  	_ = 	snop;
	(pc) =	sbr.rel @p0 .LBB2_10-.Ltmp6, $3  }
0xa2: {  	v1 =	vmul.f32 v2, v1;
	_ =	sdelay $0x1  }
0xa3: {  	[tilespmem:s21+$0x3800] =	vst v1  }
0xa4: {  	[spmem:s3] =	stream.indirect.scatter.add.f32 [tilespmem:s28], [sflag:$0x4], $0x1, s0, s11, $0xb8;
	[tilespmem:$0x1DF80] =	vst v63  }
0xa5: {  	s12 =	simm.s32 $0x4  }
0xa6: {  	_ =	swait.ge [sflag:s12], $0x7D0  }
0xa7: {  	[sflag:s12] =	ssyncset.done $0x0  }
0xa8: {  	[sflag:s12] =	ssyncadd.s32 $0xFFFFF830  }
0xa9: {  	s19 =	simm.s32 $0x0;
	s20 =	simm.s32 $0x0;
	[bflag:$0x0] =	sbarrier.arrive $0xFFFF  }
.LBB2_16:
0xaa: {  	s23 =	smul.u32 $0x620, s20;
	_ =	sdelay $0x1  }
0xab: {  	s12 =	sadd.s32 s10, s23  }
0xac: {  	s14 =	sadd.s32 s12, s3  }
0xad: {  	[tilespmem:s24], [sflag:$0x5] =	stream.linear.gather [spmem:s14], $0x620, $0x38;
	[tilespmem:$0x1DF80] =	vst v63  }
0xae: {  	_ =	swait.ge [sflag:s30], $0x620  }
0xaf: {  	s12 =	sshrl.u32 s12, $0x3;
	[sflag:s30] =	ssyncset.done $0x0  }
0xb0: {  	s12 =	sadd.s32 s1, s12;
	[sflag:s30] =	ssyncadd.s32 $0xFFFFF9E0  }
0xb1: {  	[tilespmem:s26], [sflag:$0x5] =	stream.linear.gather [hbm4b:s12+s19], $0x620, $0x38;
	[tilespmem:$0x1DF80] =	vst v63  }
0xb2: {  	_ =	swait.ge [sflag:s30], $0x620  }
0xb3: {  	[sflag:s30] =	ssyncset.done $0x0  }
0xb4: {  	s21 =	simm.s32 $0x0;
	[sflag:s30] =	ssyncadd.s32 $0xFFFFF9E0  }
0xb5: {  	v1 =	vld [tilespmem:s21+$0x3000];
	_ =	sdelay $0x1  }
0xb6: {  	v2 =	vld [tilespmem:s21+$0x1800];
	_ =	sdelay $0x2  }
0xb7: {  	v3 =	vsub.f32 $1.000000000e+00, v1;
	_ =	sdelay $0x1  }
0xb8: {  	v1 =	vmul.f32 $5.000000000e-01, v1;
	v2 =	vmul.f32 v2, v3;
	_ =	sdelay $0x1  }
0xb9: {  	s22 =	simm.s32 $0x80;
	s12 =	simm.s32 $0x10;
	v1 =	vadd.f32 v2, v1  }
.LBB2_17:
0xba: {  	p0 =	sne.s32 s22, $0x1840;
	v2 =	vld [tilespmem:s12+$0x3000]  }
0xbb: {  	[tilespmem:s21+$0x1800] =	vst v1;
	s21 =	smov.u32 s12  }
0xbc: {  	v1 =	vld [tilespmem:s21+$0x1800];
	_ =	sdelay $0x2  }
.Ltmp7:
0xbd: {  	v3 =	vsub.f32 $1.000000000e+00, v2;
	(pc) =	sbr.rel @p0 .LBB2_17-.Ltmp7, $3  }
0xbe: {  	_ = 	snop  }
0xbf: {  	v2 =	vmul.f32 $5.000000000e-01, v2;
	v1 =	vmul.f32 v1, v3;
	_ =	sdelay $0x1  }
0xc0: {  	s12 =	sshra.s32 s22, $0x2;
	s22 =	sadd.s32 $0x40, s22;
	v1 =	vadd.f32 v1, v2  }
0xc1: {  	v2 =	vld [tilespmem:s12+$0x3000]  }
0xc2: {  	[tilespmem:s21+$0x1800] =	vst v1  }
0xc3: {  	v1 =	vld [tilespmem:s12+$0x1800];
	_ =	sdelay $0x2  }
0xc4: {  	v3 =	vsub.f32 $1.000000000e+00, v2;
	_ =	sdelay $0x1  }
0xc5: {  	v2 =	vmul.f32 $5.000000000e-01, v2;
	v1 =	vmul.f32 v1, v3;
	_ =	sdelay $0x1  }
0xc6: {  	s14 =	sadd.s32 s18, s23;
	s20 =	sadd.s32 $0x1, s20;
	v1 =	vadd.f32 v1, v2  }
0xc7: {  	s14 =	sshrl.u32 s14, $0x3;
	p0 =	sne.s32 s20, $0x4  }
.Ltmp8:
0xc8: {  	s23 =	sadd.s32 s9, s14;
	[tilespmem:s12+$0x1800] =	vst v1;
	(pc) =	sbr.rel @p0 .LBB2_16-.Ltmp8, $4  }
0xc9: {  	[hbm4b:s23+s4] =	stream.linear.scatter [tilespmem:s24], [sflag:$0x5], $0x620, $0x38;
	[tilespmem:$0x1DF80] =	vst v63  }
0xca: {  	_ =	swait.ge [sflag:s30], $0x620  }
0xcb: {  	[sflag:s30] =	ssyncset.done $0x0  }
0xcc: {  	[sflag:s30] =	ssyncadd.s32 $0xFFFFF9E0  }
0xcd: {  	s15 =	sadd.s32 $0x1, s15;
	s12 =	rddreg [dreg:$0xa]  }
0xce: {  	p0 =	sne.s32 s15, s12  }
.Ltmp9:
0xcf: {  	_ = 	snop;
	(pc) =	sbr.rel @p0 .LBB2_1-.Ltmp9, $1  }
0xd0: {  	_ =	sdelay $0x3  }
0xd1: {  	_ =	sfence.sel $0x180000  }
0xd2: {  	[bflag:$0x0] =	sbarrier.arrive $0xFFFF  }
0xd3: {  	_ =	strace $0x9000004A  }
0xd4: {  	s0 =	stileid.u32;
	[bflag:$0x2] =	sbarrier.arrive $0xFFFF  }
0xd5: {  	p0 =	sne.s32 s0, $0x0;
	s0 =	rddreg [dreg:$0x4]  }
0xd6: {  	s0 =	sadd.s32 @!p0 $0x100000, s0  }
0xd7: {  	[sflag:s0] =	ssyncadd.tile.s32 @!p0 $0x1;
	_ =	shalt  }
.Lfunc_end2:
_tile_overlayer_lowered:
.L_overlay_start_2:
0xd8: {  	(tag) =	ssettag $0x2  }
0xd9: {  	s0 =	rddreg [dreg:$0x0];
	s2 =	stileid.u32  }
0xda: {  	s1 =	rddreg [dreg:$0x1];
	p0 =	sne.s32 s2, $0x0  }
0xdb: {  	s3 =	rddreg [dreg:$0x2];
	[bflag:$0x3] =	sbarrier.arrive $0xFFFF;
	s2 =	simm.s32 @!p0 $0x1C05  }
0xdc: {  	[timem:s3], [sflag:s2] =	dma.local @!p0 [hbm:s0], s1  }
0xdd: {  	s0 =	simm.s32 @!p0 $0x5  }
0xde: {  	_ =	swait.ge @!p0 [sflag:s0], s1  }
0xdf: {  	s1 =	ssub.s32 @!p0 $0x0, s1;
	[sflag:s0] =	ssyncset.done @!p0 $0x0  }
0xe0: {  	[sflag:s0] =	ssyncadd.s32 @!p0 s1  }
0xe1: {  	[bflag:$0x3] =	sbarrier.arrive $0xFFFF  }
0xe2: {  	_ =	shalt  }

// kernel: kernel.5.cloned.1.call-start
scs
__scs_entry_jumppad:
0x0: {  	(pc) =	sbr.rel $0x88, $3  }
0x1: {  	(tag) =	ssettag $0x0;
	lr =	simm.s32 $0x1  }
0x2: {  	[smem:$0x3F9C] =	sst lr;
	_ =	strace $0xD0000000  }
0x3: {  	_ = 	snop  }
0x4: {  	_ = 	snop  }
0x5: {  	_ = 	snop  }
0x6: {  	_ = 	snop  }
0x7: {  	_ = 	snop  }
__scs_overlays_trampoline_lowered:
0x8: {  	[smem:$0x3FAB] =	sst s0  }
0x9: {  	[smem:$0x3FAC] =	sst s1  }
0xa: {  	[smem:$0x3FAD] =	sst s2  }
0xb: {  	[smem:$0x3FAE] =	sst s3  }
0xc: {  	[smem:$0x3FAF] =	sst s4  }
0xd: {  	[smem:$0x3FB0] =	sst s5  }
0xe: {  	[smem:$0x3FB1] =	sst s6  }
0xf: {  	[smem:$0x3FB2] =	sst s7  }
0x10: {  	[smem:$0x3FB3] =	sst s8  }
0x11: {  	[smem:$0x3FB4] =	sst s9;
	s0 =	simm.s32 @!p0 $0x0  }
0x12: {  	s1 =	sld [smem:$0x3F9A];
	s0 =	simm.s32 @p0 $0x1  }
0x13: {  	[smem:$0x3FB5] =	sst s0;
	s0 =	simm.s32 @!p1 $0x0  }
0x14: {  	s2 =	sld [smem:$0x3F99];
	s0 =	simm.s32 @p1 $0x1  }
0x15: {  	[smem:$0x3FB6] =	sst s0;
	s0 =	simm.s32 @!p2 $0x0  }
0x16: {  	s3 =	sld [smem:$0x3FDB];
	s0 =	simm.s32 @p2 $0x1  }
0x17: {  	s4 =	simm.s32 $0x1BF5;
	[smem:$0x3FB8] =	sst s0  }
0x18: {  	s0 =	sld [smem:$0x3F9B];
	_ =	swait.ge [sflag:s4], $0x0  }
0x19: {  	s7 =	sld [smem:$0x3F9C]  }
0x1a: {  	s8 =	sadd.s32 $0xFFFFE003, lr  }
0x1b: {  	s9 =	sadd.s32 $0xFFFFFEF7, lr;
	s5 =	simm.s32 $0xFFFFFFFF;
	p2 =	slt.u32 s8, $0xFFFFF086  }
0x1c: {  	p1 =	slt.u32 s9, $0xF7A;
	s5 =	simm.s32 @!p2 $0x0  }
0x1d: {  	s5 =	simm.s32 @p1 $0x1;
	p0 =	seq.s32 s7, s2  }
0x1e: {  	s7 =	smul.u32 @!p0 $0xF7A, s2;
	p2 =	seq.s32 @!p0 s5, $0x0  }
0x1f: {  	s9 =	smul.u32 $0xF7A, s1;
	s8 =	simm.s32 @!p0 $0x1BF5;
	p2 =	por !p2, p0  }
0x20: {  	[sflag:s8] =	ssyncset.s32 @!p0 $0xFFFFF086;
	s6 =	sadd.s32 @!p0 s3, s7;
	s7 =	simm.s32 @!p0 $0x108  }
0x21: {  	s3 =	sadd.s32 s3, s9;
	s6 =	sadd.s32 @!p0 $0x88, s6;
	s7 =	simm.s32 @p2 $0x1082  }
0x22: {  	[simem:s7], [sflag:s8] =	dma.local @!p0 [hbm:s6], $0xF7A  }
0x23: {  	s9 =	sor.u32 $0xD0000000, s2;
	s6 =	simm.s32 $0x108;
	_ =	swait.ge @!p0 [sflag:s8], $0x0  }
0x24: {  	s3 =	sadd.s32 $0x88, s3;
	s6 =	simm.s32 @!p1 $0x1082;
	[sflag:s4] =	ssyncset.s32 $0xFFFFF086  }
0x25: {  	[simem:s6], [sflag:s4] =	dma.local [hbm:s3], $0xF7A  }
0x26: {  	[smem:$0x3F9C] =	sst s1;
	(tag) =	ssettag s2;
	_ =	strace s9  }
0x27: {  	s1 =	sld [smem:$0x3FAC]  }
0x28: {  	s2 =	sld [smem:$0x3FAD]  }
0x29: {  	s4 =	sld [smem:$0x3FAF]  }
0x2a: {  	p0 =	seq.s32 s5, $0x0;
	s5 =	sld [smem:$0x3FB0]  }
0x2b: {  	s6 =	sld [smem:$0x3FB1]  }
0x2c: {  	s7 =	sld [smem:$0x3FB2]  }
0x2d: {  	s3 =	simm.s32 $0x108;
	s8 =	sld [smem:$0x3FB3]  }
0x2e: {  	s3 =	simm.s32 @!p0 $0x1082;
	s9 =	sld [smem:$0x3FB4]  }
0x2f: {  	lr =	sadd.s32 s0, s3;
	s0 =	sld [smem:$0x3FAB]  }
0x30: {  	s3 =	sld [smem:$0x3FAE]  }
0x31: {  	[smem:$0x3FB7] =	sst s10  }
0x32: {  	s10 =	sld [smem:$0x3FB5];
	_ =	sdelay $0x3  }
0x33: {  	p0 =	seq.s32 s10, $0x1;
	s10 =	sld [smem:$0x3FB7];
	_ =	sdelay $0x3  }
0x34: {  	[smem:$0x3FB7] =	sst s10  }
0x35: {  	s10 =	sld [smem:$0x3FB6];
	_ =	sdelay $0x3  }
0x36: {  	p1 =	seq.s32 s10, $0x1;
	s10 =	sld [smem:$0x3FB7];
	_ =	sdelay $0x3  }
0x37: {  	[smem:$0x3FB7] =	sst s10  }
0x38: {  	s10 =	sld [smem:$0x3FB8]  }
0x39: {  	_ = 	snop;
	(pc) =	sbr.ind lr, $3  }
0x3a: {  	_ = 	snop  }
0x3b: {  	_ = 	snop  }
0x3c: {  	p2 =	seq.s32 s10, $0x1;
	s10 =	sld [smem:$0x3FB7]  }
0x3d: {  	_ =	shalt  }
0x3e: {  	_ =	shalt  }
0x3f: {  	_ =	shalt  }
0x40: {  	_ =	shalt  }
0x41: {  	_ =	shalt  }
0x42: {  	_ =	shalt  }
0x43: {  	_ =	shalt  }
0x44: {  	_ =	shalt  }
0x45: {  	_ =	shalt  }
0x46: {  	_ =	shalt  }
0x47: {  	_ =	shalt  }
0x48: {  	_ =	shalt  }
0x49: {  	_ =	shalt  }
0x4a: {  	_ =	shalt  }
0x4b: {  	_ =	shalt  }
0x4c: {  	_ =	shalt  }
0x4d: {  	_ =	shalt  }
0x4e: {  	_ =	shalt  }
0x4f: {  	_ =	shalt  }
0x50: {  	_ =	shalt  }
0x51: {  	_ =	shalt  }
0x52: {  	_ =	shalt  }
0x53: {  	_ =	shalt  }
0x54: {  	_ =	shalt  }
0x55: {  	_ =	shalt  }
0x56: {  	_ =	shalt  }
0x57: {  	_ =	shalt  }
0x58: {  	_ =	shalt  }
0x59: {  	_ =	shalt  }
0x5a: {  	_ =	shalt  }
0x5b: {  	_ =	shalt  }
0x5c: {  	_ =	shalt  }
0x5d: {  	_ =	shalt  }
0x5e: {  	_ =	shalt  }
0x5f: {  	_ =	shalt  }
0x60: {  	_ =	shalt  }
0x61: {  	_ =	shalt  }
0x62: {  	_ =	shalt  }
0x63: {  	_ =	shalt  }
0x64: {  	_ =	shalt  }
0x65: {  	_ =	shalt  }
0x66: {  	_ =	shalt  }
0x67: {  	_ =	shalt  }
0x68: {  	_ =	shalt  }
0x69: {  	_ =	shalt  }
0x6a: {  	_ =	shalt  }
0x6b: {  	_ =	shalt  }
0x6c: {  	_ =	shalt  }
0x6d: {  	_ =	shalt  }
0x6e: {  	_ =	shalt  }
0x6f: {  	_ =	shalt  }
0x70: {  	_ =	shalt  }
0x71: {  	_ =	shalt  }
0x72: {  	_ =	shalt  }
0x73: {  	_ =	shalt  }
0x74: {  	_ =	shalt  }
0x75: {  	_ =	shalt  }
0x76: {  	_ =	shalt  }
0x77: {  	_ =	shalt  }
0x78: {  	_ =	shalt  }
0x79: {  	_ =	shalt  }
0x7a: {  	_ =	shalt  }
0x7b: {  	_ =	shalt  }
0x7c: {  	_ =	shalt  }
0x7d: {  	_ =	shalt  }
0x7e: {  	_ =	shalt  }
0x7f: {  	_ =	shalt  }
0x80: {  	_ =	shalt  }
0x81: {  	_ =	shalt  }
0x82: {  	_ =	shalt  }
0x83: {  	_ =	shalt  }
0x84: {  	_ =	shalt  }
0x85: {  	_ =	shalt  }
0x86: {  	_ =	shalt  }
0x87: {  	_ =	shalt  }
.Lfunc_end0:
.L_simem_size_0:
called_computation.1_lowered:
.L_overlay_start_0:
0x88: {  	s2 =	sld [smem:$0x3FD9]  }
0x89: {  	s3 =	sld [smem:$0x3FFE];
	_ =	sdelay $0x1  }
0x8a: {  	s1 =	srdreg.scid  }
0x8b: {  	s0 =	sand.u32 $0x1, s1  }
0x8c: {  	s14 =	sshll.u32 s0, $0xA;
	s2 =	sadd.s32 s3, s2  }
0x8d: {  	s2 =	sadd.s32 s2, s14  }
0x8e: {  	[smem:$0x3FC3] =	sst s2  }
0x8f: {  	_ = 	snop  }
0x90: {  	s2 =	sld [smem:$0x3FD0];
	_ =	sdelay $0x2  }
0x91: {  	s15 =	simm.s32 $0xA;
	s4 =	simm.s32 $0x10  }
0x92: {  	[smem:s4], [sflag:s15] =	dma.local [hbm:s2], $0x1  }
0x93: {  	_ =	swait.eq [sflag:s15], $0x1  }
0x94: {  	[sflag:s15] =	ssyncset.done $0x0  }
0x95: {  	[sflag:s15] =	ssyncadd.s32 $0xFFFFFFFF  }
0x96: {  	s16 =	sld [smem:$0x12];
	(tm) =	ssettm $0x1  }
0x97: {  	s17 =	sld [smem:$0x3FFB];
	_ =	sdelay $0x3  }
0x98: {  	_ =	strace s17  }
0x99: {  	s3 =	sld [smem:$0x3FFC];
	_ =	sdelay $0x3  }
0x9a: {  	_ =	strace s3  }
0x9b: {  	s3 =	sld [smem:$0x3FFD];
	_ =	sdelay $0x3  }
0x9c: {  	_ =	strace s3  }
0x9d: {  	_ =	strace $0x8FFFFFFF  }
0x9e: {  	s18 =	sld [smem:$0x3FDB];
	_ =	sdelay $0x1  }
0x9f: {  	s19 =	simm.s32 $_scs_section_size  }
0xa0: {  	s5 =	simm.s32 $_size__tile_overlayer_lowered;
	s6 =	simm.s32 $_tile_overlayer_lowered  }
0xa1: {  	s22 =	simm.s32 $0x1BFF;
	s21 =	sshll.u32 s6, $0x1;
	s3 =	sadd.s32 s19, s18  }
0xa2: {  	s7 =	simm.s32 $0x0;
	s20 =	sshll.u32 s5, $0x1;
	s5 =	sadd.s32 s21, s3  }
0xa3: {  	[timem:s7], [sflag:s22] =	dma.local [hbm:s5], s20  }
0xa4: {  	_ =	swait.ge [sflag:s22], s20  }
0xa5: {  	s4 =	ssub.s32 $0x0, s20;
	[sflag:s22] =	ssyncset.done $0x0  }
0xa6: {  	[sflag:s22] =	ssyncadd.s32 s4;
	_ =	sdelay $0x1  }
0xa7: {  	s23 =	simm.s32 $0x1B8B  }
0xa8: {  	_ =	swait.ge [sflag:s23], $0x1  }
0xa9: {  	[sflag:s23] =	ssyncset.done $0x0  }
0xaa: {  	s25 =	simm.s32 $0x1B8E;
	s24 =	sld [smem:$0x3FFE];
	[sflag:s23] =	ssyncadd.s32 $0xFFFFFFFF  }
0xab: {  	s26 =	simm.s32 $execute0_lowered;
	[smem:$0x3FD2] =	sst s25  }
0xac: {  	s5 =	sshll.u32 s26, $0x1;
	_ =	strace $0x80000046;
	[dreg:$0x1] =	wrdreg $0xFFFFFFFF  }
0xad: {  	s28 =	simm.s32 $_size_execute0_lowered;
	s3 =	sadd.s32 s3, s5;
	[dreg:$0x0] =	wrdreg $0x0  }
0xae: {  	s5 =	sshll.u32 s28, $0x1;
	[dreg:$0x2] =	wrdreg s3  }
0xaf: {  	[dreg:$0x3] =	wrdreg s5  }
0xb0: {  	[dreg:$0x4] =	wrdreg $0xC0  }
0xb1: {  	_ =	task [dreg:s7], $0x5FFFF  }
0xb2: {  	[dreg:$0x1] =	wrdreg $0xFFFFFFFF  }
0xb3: {  	[dreg:$0x0] =	wrdreg $0x60  }
0xb4: {  	[dreg:$0x2] =	wrdreg s24  }
0xb5: {  	[dreg:$0x3] =	wrdreg s16  }
0xb6: {  	[dreg:$0x4] =	wrdreg $0x9  }
0xb7: {  	_ =	task.clear_ibuf [dreg:s7], $0x5FFFF;
	_ =	strace $0x90000046  }
0xb8: {  	s29 =	simm.s32 $0x9;
	_ =	strace $0x80000048  }
0xb9: {  	_ =	swait.ge [sflag:s29], $0x1  }
0xba: {  	[sflag:s29] =	ssyncadd.s32 $0xFFFFFFFF  }
0xbb: {  	_ =	strace $0x90000048  }
0xbc: {  	_ =	sfence  }
0xbd: {  	s30 =	sld [smem:$0x0];
	_ =	sdelay $0x2  }
0xbe: {  	s31 =	sshll.u32 s1, $0xD;
	s1 =	sshrl.u32 s1, $0x2  }
0xbf: {  	s3 =	sand.u32 $0x4000, s31;
	s1 =	sadd.s32 s1, s30  }
0xc0: {  	s0 =	sor.u32 s3, s0;
	s1 =	sshll.u32 s1, $0x11  }
0xc1: {  	s0 =	sor.u32 s1, s0  }
0xc2: {  	s0 =	sadd.s32 $0x8F2B, s0  }
0xc3: {  	[sflag:s0] =	ssyncadd.remote.s32 $0x1  }
0xc4: {  	_ =	sfence.sel $0xFFFF  }
0xc5: {  	[dreg:$0x0] =	wrdreg $0xFFFFFFFF;
	(pc) =	sbr.abs _section_cstart, $3  }
0xc6: {  	[dreg:$0x1] =	wrdreg $0xFFFFFFFF  }
0xc7: {  	_ =	task.clear_ibuf [dreg:s7], $0x2FFFF;
	_ =	strace $0x9FFFFFFF  }
0xc8: {  	(tm) =	ssettm $0x7FFFFFFF  }
0xc9: {  	_ =	shalt  }
tec
execute0_lowered:
.L_overlay_start_1:
0x0: {  	(tag) =	ssettag $0x1  }
0x1: {  	s0 =	rddreg [dreg:$0x0]  }
0x2: {  	s1 =	rddreg [dreg:$0x1]  }
0x3: {  	s3 =	simm.s32 $0x0;
	s2 =	srdreg.scid;
	s5 =	stileid.u32  }
0x4: {  	s16 =	simm.s32 $0x1000;
	s17 =	simm.s32 $0x1800;
	s18 =	simm.s32 $0x1  }
0x5: {  	s19 =	simm.s32 $0x3000;
	s20 =	simm.s32 $0x3800;
	s21 =	simm.s32 $0x2  }
0x6: {  	s23 =	simm.s32 $0x2000;
	s24 =	simm.s32 $0x2800;
	s25 =	simm.s32 $0x4000  }
0x7: {  	s26 =	simm.s32 $0x3;
	s28 =	simm.s32 $0x0;
	[smem:$0x7FF] =	sst s3  }
0x8: {  	s2 =	sand.u32 $0x1, s2;
	s4 =	sadd.s32 $0x63400, s0;
	s9 =	smul.u32 $0x186A0, s5  }
0x9: {  	s5 =	sadd.s32 $0xC5000, s0;
	s6 =	sadd.s32 $0x1800, s0;
	s8 =	smul.u32 $0x186A00, s2  }
0xa: {  	s7 =	sadd.s32 $0x126C00, s0;
	s0 =	sadd.s32 $0x129D00, s0;
	s2 =	ssub.s32 $0x2, s2  }
0xb: {  	_ =	strace $0x80000047;
	s10 =	sshrl.u32 s2, $0x1;
	s8 =	sadd.s32 s9, s8  }
0xc: {  	[dreg:$0x3] =	wrdreg s0;
	s2 =	ssub.s32 s2, s10;
	s31 =	sshrl.u32 s8, $0x3  }
0xd: {  	s13 =	sadd.s32 $0x7D0, s8;
	s14 =	sadd.s32 $0xFA0, s8;
	s15 =	smax.u32 s2, $0x1  }
0xe: {  	s10 =	sadd.s32 s4, s31;
	s11 =	sadd.s32 s5, s31;
	s12 =	sadd.s32 s6, s31  }
.LBB2_1:
0xf: {  	[tilespmem:s16], [sflag:$0x1] =	stream.linear.gather [hbm4b:s7+s3], $0x7D0, $0x38;
	[tilespmem:$0x1C700] =	vst v63  }
0x10: {  	s0 =	rddreg [dreg:$0x3]  }
0x11: {  	s29 =	simm.s32 $0x47D0;
	s30 =	simm.s32 $0x4000;
	s31 =	simm.s32 $0x0  }
0x12: {  	[tilespmem:s17], [sflag:$0x1] =	stream.linear.gather [hbm4b:s0+s3], $0x7D0, $0x38;
	[tilespmem:$0x1C700] =	vst v63  }
.LBB2_2:
0x13: {  	_ =	swait.ge [sflag:s18], $0x7D0  }
0x14: {  	s0 =	smul.u32 $0xFA0, s31;
	[sflag:s18] =	ssyncset.done $0x0  }
0x15: {  	[sflag:s18] =	ssyncadd.s32 $0xFFFFF830  }
0x16: {  	s2 =	sshrl.u32 s0, $0x3;
	_ =	swait.ge [sflag:s18], $0x7D0  }
0x17: {  	s2 =	sadd.s32 s7, s2;
	[sflag:s18] =	ssyncset.done $0x0  }
0x18: {  	s22 =	simm.s32 $0x0;
	s9 =	sadd.s32 $0xFA, s2;
	[sflag:s18] =	ssyncadd.s32 $0xFFFFF830  }
0x19: {  	[tilespmem:s19], [sflag:$0x2] =	stream.linear.gather [hbm4b:s9+s22], $0x7D0, $0x38;
	[tilespmem:$0x1C700] =	vst v63  }
0x1a: {  	s2 =	sadd.s32 $0x31FA, s2  }
0x1b: {  	[tilespmem:s20], [sflag:$0x2] =	stream.linear.gather [hbm4b:s2+s22], $0x7D0, $0x38;
	[tilespmem:$0x1C700] =	vst v63  }
0x1c: {  	s2 =	simm.s32 $0x0  }
0x1d: {  	v0 =	vmov s30;
	s9 =	simm.s32 $0x40;
	v1 =	vld [tilespmem:s2+$0x1800]  }
.LBB2_3:
0x1e: {  	p0 =	sne.s32 s9, $0x1F00;
	v2 =	vld [tilespmem:s2+$0x1000];
	_ =	sdelay $0x3  }
.Ltmp0:
0x1f: {  	(pc) =	sbr.rel @p0 .LBB2_3-.Ltmp0, $3  }
0x20: {  	v1 =	vadd.f32 v1, v2;
	_ =	sdelay $0x1  }
0x21: {  	[tilespmem:v0+s2+$0x0 ss:$0x1] =	vst.idx.msk $0xffff, v1;
	s2 =	sshra.s32 s9, $0x2  }
0x22: {  	s9 =	sadd.s32 $0x40, s9;
	v1 =	vld [tilespmem:s2+$0x1800]  }
0x23: {  	v2 =	vld [tilespmem:s2+$0x1000];
	_ =	sdelay $0x4  }
0x24: {  	v1 =	vadd.f32 v1, v2;
	_ =	sdelay $0x1  }
0x25: {  	[tilespmem:v0+s2+$0x0 ss:$0x1] =	vst.idx.msk $0xffff, v1  }
0x26: {  	_ =	swait.ge [sflag:s21], $0x7D0  }
0x27: {  	[sflag:s21] =	ssyncset.done $0x0  }
0x28: {  	p0 =	seq.s32 s31, $0x18;
	[sflag:s21] =	ssyncadd.s32 $0xFFFFF830  }
0x29: {  	s0 =	sshrl.u32 @!p0 s0, $0x3;
	_ =	swait.ge [sflag:s21], $0x7D0  }
0x2a: {  	s9 =	simm.s32 @!p0 $0x0;
	s0 =	sadd.s32 @!p0 s7, s0;
	[sflag:s21] =	ssyncset.done $0x0  }
0x2b: {  	s22 =	simm.s32 @!p0 $0x1000;
	s2 =	sadd.s32 @!p0 $0x1F4, s0;
	[sflag:s21] =	ssyncadd.s32 $0xFFFFF830  }
0x2c: {  	[tilespmem:s22], [sflag:$0x1] =	stream.linear.gather @!p0 [hbm4b:s2+s9], $0x7D0, $0x38;
	[tilespmem:$0x1C700] =	vst v63  }
0x2d: {  	s0 =	sadd.s32 @!p0 $0x32F4, s0;
	s2 =	simm.s32 @!p0 $0x1800  }
0x2e: {  	[tilespmem:s2], [sflag:$0x1] =	stream.linear.gather @!p0 [hbm4b:s0+s9], $0x7D0, $0x38;
	[tilespmem:$0x1C700] =	vst v63  }
0x2f: {  	s0 =	simm.s32 $0x0  }
0x30: {  	v0 =	vmov s29;
	s2 =	simm.s32 $0x40;
	v1 =	vld [tilespmem:s0+$0x3800]  }
.LBB2_5:
0x31: {  	p0 =	sne.s32 s2, $0x1F00;
	v2 =	vld [tilespmem:s0+$0x3000];
	_ =	sdelay $0x3  }
.Ltmp1:
0x32: {  	(pc) =	sbr.rel @p0 .LBB2_5-.Ltmp1, $3  }
0x33: {  	v1 =	vadd.f32 v1, v2;
	_ =	sdelay $0x1  }
0x34: {  	[tilespmem:v0+s0+$0x0 ss:$0x1] =	vst.idx.msk $0xffff, v1;
	s0 =	sshra.s32 s2, $0x2  }
0x35: {  	s2 =	sadd.s32 $0x40, s2;
	v1 =	vld [tilespmem:s0+$0x3800]  }
0x36: {  	v2 =	vld [tilespmem:s0+$0x3000]  }
0x37: {  	s31 =	sadd.s32 $0x1, s31  }
0x38: {  	p0 =	sne.s32 s31, $0x19  }
.Ltmp2:
0x39: {  	_ = 	snop;
	(pc) =	sbr.rel @p0 .LBB2_2-.Ltmp2, $3  }
0x3a: {  	_ = 	snop  }
0x3b: {  	v1 =	vadd.f32 v1, v2;
	_ =	sdelay $0x1  }
0x3c: {  	s30 =	sadd.s32 $0xFA0, s30;
	s29 =	sadd.s32 $0xFA0, s29;
	[tilespmem:v0+s0+$0x0 ss:$0x1] =	vst.idx.msk $0xffff, v1  }
0x3d: {  	s29 =	simm.s32 $0x0  }
0x3e: {  	[tilespmem:s29], [sflag:$0x1] =	stream.linear.gather [hbm4b:s10+s29], $0x7D0, $0x38;
	[tilespmem:$0x1C700] =	vst v63  }
0x3f: {  	s0 =	simm.s32 $0x800  }
0x40: {  	[tilespmem:s0], [sflag:$0x1] =	stream.linear.gather [hbm4b:s11+s29], $0x7D0, $0x38;
	[tilespmem:$0x1C700] =	vst v63  }
0x41: {  	s30 =	simm.s32 $0x0  }
0x42: {  	[tilespmem:s16], [sflag:$0x1] =	stream.linear.gather [hbm4b:s12+s29], $0x7D0, $0x38;
	[tilespmem:$0x1C700] =	vst v63  }
.LBB2_8:
0x43: {  	_ =	swait.ge [sflag:s18], $0x7D0  }
0x44: {  	[sflag:s18] =	ssyncset.done $0x0  }
0x45: {  	[sflag:s18] =	ssyncadd.s32 $0xFFFFF830  }
0x46: {  	_ =	swait.ge [sflag:s18], $0x7D0  }
0x47: {  	s0 =	smul.u32 $0xFA0, s30;
	[sflag:s18] =	ssyncset.done $0x0  }
0x48: {  	[sflag:s18] =	ssyncadd.s32 $0xFFFFF830  }
0x49: {  	s2 =	sadd.s32 s0, s13;
	_ =	swait.ge [sflag:s18], $0x7D0  }
0x4a: {  	s31 =	sshrl.u32 s2, $0x3;
	[sflag:s18] =	ssyncset.done $0x0  }
0x4b: {  	s2 =	sadd.s32 s4, s31;
	[sflag:s18] =	ssyncadd.s32 $0xFFFFF830  }
0x4c: {  	[tilespmem:s23], [sflag:$0x2] =	stream.linear.gather [hbm4b:s2+s29], $0x7D0, $0x38;
	[tilespmem:$0x1C700] =	vst v63  }
0x4d: {  	s9 =	sadd.s32 s5, s31  }
0x4e: {  	[tilespmem:s24], [sflag:$0x2] =	stream.linear.gather [hbm4b:s9+s29], $0x7D0, $0x38;
	[tilespmem:$0x1C700] =	vst v63  }
0x4f: {  	s22 =	sadd.s32 s6, s31;
	s2 =	simm.s32 $0x0  }
0x50: {  	[tilespmem:s19], [sflag:$0x2] =	stream.linear.gather [hbm4b:s22+s29], $0x7D0, $0x38;
	[tilespmem:$0x1C700] =	vst v63  }
0x51: {  	v0 =	vld [tilespmem:s2+$0x0];
	_ =	sdelay $0x6  }
0x52: {  	v1 =	vld [tilespmem:s2+$0x800]  }
0x53: {  	v2 =	vld.idx.msk [tilespmem:v0+s25+$0x0], $0xffff;
	_ =	sdelay $0x4  }
0x54: {  	(erf) = vrcp.f32 v2;
	_ =	sdelay $0x1  }
0x55: {  	v0 =	vld.idx.msk [tilespmem:v1+s25+$0x0], $0xffff  }
0x56: {  	v1 =	vld [tilespmem:s2+$0x1000]  }
0x57: {  	s9 =	simm.s32 $0x80;
	s22 =	simm.s32 $0x10  }
.LBB2_9:
0x58: {  	p0 =	sne.s32 s9, $0x1F00;
	v2 =	vld [tilespmem:s22+$0x0];
	_ =	sdelay $0x2  }
0x59: {  	v0 =	vmul.f32 v1, v0  }
0x5a: {  	v1 =	vpop (erf)  }
0x5b: {  	v0 =	vmul.f32 v0, v1;
	_ =	sdelay $0x1  }
0x5c: {  	v1 =	vld [tilespmem:s22+$0x800];
	[tilespmem:s2+$0x1800] =	vst v0;
	s2 =	smov.u32 s22  }
0x5d: {  	v0 =	vld.idx.msk [tilespmem:v2+s25+$0x0], $0xffff;
	_ =	sdelay $0x5  }
.Ltmp3:
0x5e: {  	(erf) = vrcp.f32 v0;
	(pc) =	sbr.rel @p0 .LBB2_9-.Ltmp3, $4  }
0x5f: {  	_ = 	snop  }
0x60: {  	v0 =	vld.idx.msk [tilespmem:v1+s25+$0x0], $0xffff  }
0x61: {  	v1 =	vld [tilespmem:s2+$0x1000]  }
0x62: {  	s22 =	sshra.s32 s9, $0x2;
	s9 =	sadd.s32 $0x40, s9  }
0x63: {  	v2 =	vld [tilespmem:s22+$0x0];
	_ =	sdelay $0x2  }
0x64: {  	v0 =	vmul.f32 v1, v0  }
0x65: {  	v1 =	vpop (erf)  }
0x66: {  	v0 =	vmul.f32 v0, v1;
	_ =	sdelay $0x1  }
0x67: {  	v1 =	vld [tilespmem:s22+$0x800];
	[tilespmem:s2+$0x1800] =	vst v0  }
0x68: {  	v0 =	vld.idx.msk [tilespmem:v2+s25+$0x0], $0xffff;
	_ =	sdelay $0x4  }
0x69: {  	(erf) = vrcp.f32 v0;
	_ =	sdelay $0x1  }
0x6a: {  	v0 =	vld.idx.msk [tilespmem:v1+s25+$0x0], $0xffff  }
0x6b: {  	v1 =	vld [tilespmem:s22+$0x1000];
	_ =	sdelay $0x4  }
0x6c: {  	v0 =	vmul.f32 v1, v0  }
0x6d: {  	v1 =	vpop (erf)  }
0x6e: {  	s9 =	sadd.s32 s8, s0;
	v0 =	vmul.f32 v0, v1  }
0x6f: {  	s2 =	sshrl.u32 s9, $0x3  }
0x70: {  	s2 =	sadd.s32 s1, s2;
	[tilespmem:s22+$0x1800] =	vst v0  }
0x71: {  	[hbm4b:s2+s3] =	stream.linear.scatter [tilespmem:s17], [sflag:$0x3], $0x7D0, $0x38;
	[tilespmem:$0x1C700] =	vst v63  }
0x72: {  	_ =	swait.ge [sflag:s26], $0x7D0  }
0x73: {  	[sflag:s26] =	ssyncset.done $0x0  }
0x74: {  	[sflag:s26] =	ssyncadd.s32 $0xFFFFF830  }
0x75: {  	_ =	swait.ge [sflag:s21], $0x7D0  }
0x76: {  	[sflag:s21] =	ssyncset.done $0x0  }
0x77: {  	[sflag:s21] =	ssyncadd.s32 $0xFFFFF830  }
0x78: {  	_ =	swait.ge [sflag:s21], $0x7D0  }
0x79: {  	[sflag:s21] =	ssyncset.done $0x0  }
0x7a: {  	p0 =	seq.s32 s30, $0x18;
	[sflag:s21] =	ssyncadd.s32 $0xFFFFF830  }
0x7b: {  	s0 =	sadd.s32 @!p0 s0, s14;
	_ =	swait.ge [sflag:s21], $0x7D0  }
0x7c: {  	s0 =	sshrl.u32 @!p0 s0, $0x3;
	[sflag:s21] =	ssyncset.done $0x0  }
0x7d: {  	s9 =	simm.s32 @!p0 $0x0;
	s2 =	sadd.s32 @!p0 s4, s0;
	[sflag:s21] =	ssyncadd.s32 $0xFFFFF830  }
0x7e: {  	[tilespmem:s9], [sflag:$0x1] =	stream.linear.gather @!p0 [hbm4b:s2+s9], $0x7D0, $0x38;
	[tilespmem:$0x1C700] =	vst v63  }
0x7f: {  	s22 =	simm.s32 @!p0 $0x800;
	s2 =	sadd.s32 @!p0 s5, s0  }
0x80: {  	[tilespmem:s22], [sflag:$0x1] =	stream.linear.gather @!p0 [hbm4b:s2+s9], $0x7D0, $0x38;
	[tilespmem:$0x1C700] =	vst v63  }
0x81: {  	s0 =	sadd.s32 @!p0 s6, s0;
	s2 =	simm.s32 @!p0 $0x1000  }
0x82: {  	[tilespmem:s2], [sflag:$0x1] =	stream.linear.gather @!p0 [hbm4b:s0+s9], $0x7D0, $0x38;
	[tilespmem:$0x1C700] =	vst v63  }
0x83: {  	s0 =	simm.s32 $0x0  }
0x84: {  	v0 =	vld [tilespmem:s0+$0x2000];
	_ =	sdelay $0x6  }
0x85: {  	v1 =	vld [tilespmem:s0+$0x2800]  }
0x86: {  	v2 =	vld.idx.msk [tilespmem:v0+s25+$0x0], $0xffff;
	_ =	sdelay $0x4  }
0x87: {  	(erf) = vrcp.f32 v2;
	_ =	sdelay $0x1  }
0x88: {  	v0 =	vld.idx.msk [tilespmem:v1+s25+$0x0], $0xffff  }
0x89: {  	v1 =	vld [tilespmem:s0+$0x3000]  }
0x8a: {  	s9 =	simm.s32 $0x10;
	s2 =	simm.s32 $0x80  }
.LBB2_11:
0x8b: {  	p0 =	sne.s32 s2, $0x1F00;
	v2 =	vld [tilespmem:s9+$0x2000];
	_ =	sdelay $0x2  }
0x8c: {  	v0 =	vmul.f32 v1, v0  }
0x8d: {  	v1 =	vpop (erf)  }
0x8e: {  	v0 =	vmul.f32 v0, v1;
	_ =	sdelay $0x1  }
0x8f: {  	v1 =	vld [tilespmem:s9+$0x2800];
	[tilespmem:s0+$0x3800] =	vst v0;
	s0 =	smov.u32 s9  }
0x90: {  	v0 =	vld.idx.msk [tilespmem:v2+s25+$0x0], $0xffff;
	_ =	sdelay $0x5  }
.Ltmp4:
0x91: {  	(erf) = vrcp.f32 v0;
	(pc) =	sbr.rel @p0 .LBB2_11-.Ltmp4, $4  }
0x92: {  	_ = 	snop  }
0x93: {  	v0 =	vld.idx.msk [tilespmem:v1+s25+$0x0], $0xffff  }
0x94: {  	v1 =	vld [tilespmem:s0+$0x3000]  }
0x95: {  	s9 =	sshra.s32 s2, $0x2;
	s2 =	sadd.s32 $0x40, s2  }
0x96: {  	v2 =	vld [tilespmem:s9+$0x2000];
	_ =	sdelay $0x2  }
0x97: {  	v0 =	vmul.f32 v1, v0  }
0x98: {  	v59 =	vpop (erf)  }
0x99: {  	v0 =	vmul.f32 v0, v59;
	_ =	sdelay $0x1  }
0x9a: {  	v60 =	vld [tilespmem:s9+$0x2800];
	[tilespmem:s0+$0x3800] =	vst v0  }
0x9b: {  	v0 =	vld.idx.msk [tilespmem:v2+s25+$0x0], $0xffff;
	_ =	sdelay $0x4  }
0x9c: {  	(erf) = vrcp.f32 v0;
	_ =	sdelay $0x1  }
0x9d: {  	v61 =	vld.idx.msk [tilespmem:v60+s25+$0x0], $0xffff  }
0x9e: {  	v62 =	vld [tilespmem:s9+$0x3000];
	_ =	sdelay $0x4  }
0x9f: {  	v0 =	vmul.f32 v62, v61  }
0xa0: {  	v63 =	vpop (erf)  }
0xa1: {  	s30 =	sadd.s32 $0x1, s30;
	v0 =	vmul.f32 v0, v63  }
0xa2: {  	p0 =	sne.s32 s30, $0x19  }
.Ltmp5:
0xa3: {  	s31 =	sadd.s32 s1, s31;
	[tilespmem:s9+$0x3800] =	vst v0;
	(pc) =	sbr.rel @p0 .LBB2_8-.Ltmp5, $4  }
0xa4: {  	[hbm4b:s31+s3] =	stream.linear.scatter [tilespmem:s20], [sflag:$0x3], $0x7D0, $0x38;
	[tilespmem:$0x1C700] =	vst v63  }
0xa5: {  	_ =	swait.ge [sflag:s26], $0x7D0  }
0xa6: {  	[sflag:s26] =	ssyncset.done $0x0  }
0xa7: {  	[sflag:s26] =	ssyncadd.s32 $0xFFFFF830  }
0xa8: {  	s28 =	sadd.s32 $0x1, s28  }
0xa9: {  	p0 =	sne.s32 s28, s15  }
.Ltmp6:
0xaa: {  	_ = 	snop;
	(pc) =	sbr.rel @p0 .LBB2_1-.Ltmp6, $1  }
0xab: {  	_ =	sdelay $0x3  }
0xac: {  	_ =	sfence.sel $0x180000  }
0xad: {  	[bflag:$0x0] =	sbarrier.arrive $0xFFFF  }
0xae: {  	_ =	strace $0x90000047  }
0xaf: {  	s0 =	stileid.u32;
	[bflag:$0x2] =	sbarrier.arrive $0xFFFF  }
0xb0: {  	p0 =	sne.s32 s0, $0x0;
	s0 =	rddreg [dreg:$0x2]  }
0xb1: {  	s0 =	sadd.s32 @!p0 $0x100000, s0  }
0xb2: {  	[sflag:s0] =	ssyncadd.tile.s32 @!p0 $0x1;
	_ =	shalt  }
.Lfunc_end2:
_tile_overlayer_lowered:
.L_overlay_start_2:
0xb3: {  	(tag) =	ssettag $0x2  }
0xb4: {  	s0 =	rddreg [dreg:$0x0];
	s2 =	stileid.u32  }
0xb5: {  	s1 =	rddreg [dreg:$0x1];
	p0 =	sne.s32 s2, $0x0  }
0xb6: {  	s3 =	rddreg [dreg:$0x2];
	[bflag:$0x3] =	sbarrier.arrive $0xFFFF;
	s2 =	simm.s32 @!p0 $0x1C03  }
0xb7: {  	[timem:s3], [sflag:s2] =	dma.local @!p0 [hbm:s0], s1  }
0xb8: {  	s0 =	simm.s32 @!p0 $0x3  }
0xb9: {  	_ =	swait.ge @!p0 [sflag:s0], s1  }
0xba: {  	s1 =	ssub.s32 @!p0 $0x0, s1;
	[sflag:s0] =	ssyncset.done @!p0 $0x0  }
0xbb: {  	[sflag:s0] =	ssyncadd.s32 @!p0 s1  }
0xbc: {  	[bflag:$0x3] =	sbarrier.arrive $0xFFFF  }
0xbd: {  	_ =	shalt  }

</sc_bundles>
